<compile_context>
chip_gen: v7x
topology: tpu7x:2x2x1
jax: 0.10.2.dev20260603
libtpu: 0.0.44.dev20260713+nightly
codegen_flags: <defaults>
</compile_context>

<pallas_src>
import functools

import jax
import jax.numpy as jnp
import numpy as np
from jax import lax
from jax.experimental import pallas as pl
from jax.experimental.pallas import tpu as pltpu
from jax.experimental.pallas import tpu_sc as plsc

N_BINS = 15
B = 1024
NC, NS, L = 2, 16, 16
NW = NC * NS
TBL = L * B
NCH = 5

_mesh = plsc.VectorSubcoreMesh(core_axis_name="c", subcore_axis_name="s")


def _make_sc_hist(n):
    per_tile = n // NW
    chunk = 20832
    nch = per_tile // chunk
    full = chunk // L
    tail = per_tile - nch * chunk
    assert per_tile * NW == n and chunk % 8 == 0 and chunk % L == 0
    assert 0 < tail < L and (per_tile - L) % 8 == 0

    @functools.partial(
        pl.kernel,
        out_type=(
            jax.ShapeDtypeStruct((NW * L, B), jnp.float32),
            jax.ShapeDtypeStruct((NW * L, B), jnp.float32),
        ),
        mesh=_mesh,
        compiler_params=pltpu.CompilerParams(needs_layout_passes=False),
        scratch_types=[
            pltpu.VMEM((chunk,), jnp.float32),
            pltpu.VMEM((chunk,), jnp.float32),
            pltpu.VMEM((chunk,), jnp.float32),
            pltpu.VMEM((chunk,), jnp.float32),
            pltpu.VMEM((L, B), jnp.float32),
            pltpu.VMEM((L, B), jnp.float32),
            pltpu.VMEM((L,), jnp.float32),
            pltpu.VMEM((L,), jnp.float32),
            pltpu.SemaphoreType.DMA,
            pltpu.SemaphoreType.DMA,
            pltpu.SemaphoreType.DMA,
            pltpu.SemaphoreType.DMA,
        ],
    )
    def sc_hist(conf_hbm, err_hbm, os1, oerr, conf_v0, conf_v1,
                err_v0, err_v1, hs1, herr, ctail, etail_v,
                sc0, sc1, se0, se1):
        wid = lax.axis_index("s") * NC + lax.axis_index("c")
        base = wid * per_tile
        bufc = (conf_v0, conf_v1)
        bufe = (err_v0, err_v1)
        semc = (sc0, sc1)
        seme = (se0, se1)

        def copies(ci, b):
            start = base + ci * chunk
            cc = pltpu.make_async_copy(
                conf_hbm.at[pl.ds(start, chunk)], bufc[b], semc[b])
            ee = pltpu.make_async_copy(
                err_hbm.at[pl.ds(start, chunk)], bufe[b], seme[b])
            return cc, ee

        cc, ee = copies(0, 0)
        cc.start()
        ee.start()

        zeros = jnp.zeros((L,), jnp.float32)

        def zbody(i, _):
            for r in range(L):
                hs1[r, pl.ds(i * L, L)] = zeros
                herr[r, pl.ds(i * L, L)] = zeros
            return 0

        lax.fori_loop(0, B // L, zbody, 0)

        lanes = lax.iota(jnp.int32, L)
        full_mask = lanes < L
        tail_mask = lanes >= (L - tail)
        c1 = 1.0 / 8192.0
        c2 = 1.0 - 0.5 / 8192.0

        def accum(c, e, mask, clamp=False):
            cb = c * float(B)
            k = cb.astype(jnp.int32)
            if clamp:
                k = jnp.minimum(jnp.maximum(k, 0), B - 1)
            kf = k.astype(jnp.float32)
            v1 = (cb - kf) * c1 + c2
            plsc.addupdate_scatter(hs1, [lanes, k], v1, mask=mask)
            plsc.addupdate_scatter(herr, [lanes, k], e, mask=mask)

        def process(cv, ev, nvreg):
            @plsc.parallel_loop(0, nvreg, unroll=6)
            def _(i):
                accum(cv[pl.ds(i * L, L)], ev[pl.ds(i * L, L)], full_mask)

        for ci in range(nch):
            b = ci % 2
            if ci + 1 < nch:
                cn, en = copies(ci + 1, 1 - b)
                cn.start()
                en.start()
            cw, ew = copies(ci, b)
            cw.wait()
            ew.wait()
            process(bufc[b], bufe[b], full)

        estart = base + per_tile - L
        pltpu.sync_copy(conf_hbm.at[pl.ds(estart, L)], ctail)
        pltpu.sync_copy(err_hbm.at[pl.ds(estart, L)], etail_v)
        accum(ctail[...], etail_v[...], tail_mask, clamp=True)

        pltpu.sync_copy(hs1, os1.at[pl.ds(wid * L, L)])
        pltpu.sync_copy(herr, oerr.at[pl.ds(wid * L, L)])

    return sc_hist


def _make_tc_finalize():
    def body(s1_ref, err_ref, rk_ref, wdt_ref, out_ref):
        s1 = jnp.sum(s1_ref[...], axis=0, keepdims=True)
        serr = jnp.sum(err_ref[...], axis=0, keepdims=True)
        cnt = jnp.floor(s1 + 0.5)
        dev = (s1 - cnt) * 8192.0
        jc = lax.broadcasted_iota(jnp.int32, (1, B), 1).astype(jnp.float32) + 0.5
        sconf = (jc * cnt + dev) * (1.0 / B)

        ii = lax.broadcasted_iota(jnp.int32, (B, B), 0)
        jj = lax.broadcasted_iota(jnp.int32, (B, B), 1)
        tri = (ii < jj).astype(jnp.float32)
        cc_excl = jnp.dot(cnt, tri, preferred_element_type=jnp.float32)

        safe = jnp.maximum(cnt, 1.0)
        mc = sconf / safe
        me = serr / safe

        rk = rk_ref[...]
        w = jnp.clip(rk - cc_excl, 0.0, cnt)
        fc = jnp.sum(w * mc, axis=1, keepdims=True)
        fe = jnp.sum(w * me, axis=1, keepdims=True)

        sk = fc[1:, :] - fc[:-1, :]
        ek = fe[1:, :] - fe[:-1, :]
        wdt = wdt_ref[...]
        val = jnp.abs(sk / wdt - (1.0 - ek / wdt))
        out_ref[...] = (jnp.sum(val) / float(N_BINS)).reshape(1, 1)

    return pl.pallas_call(
        body,
        out_shape=jax.ShapeDtypeStruct((1, 1), jnp.float32),
    )


def kernel(confidence, errors):
    n = confidence.shape[0]
    ranks = np.linspace(0.0, float(n), N_BINS + 1).astype(np.int64)
    rk = jnp.asarray(ranks.astype(np.float32)).reshape(N_BINS + 1, 1)
    wdt = jnp.asarray(np.diff(ranks).astype(np.float32)).reshape(N_BINS, 1)
    os1, oerr = _make_sc_hist(n)(confidence, errors)
    out = _make_tc_finalize()(os1, oerr, rk, wdt)
    return out.reshape(())

# --- scband reference (transcript-rebuilt; emitter-appended) ---
"""Pipeline reference for scband-adaptive-ece-73366631350987 (READ-ONLY COPY).

The authoritative reference and input builder live on the scoring server;
editing this copy changes nothing except your own understanding.
"""

import jax, jax.numpy as jnp
import numpy as np

N = 4_000_000
N_BINS = 15

def setup_inputs(seed: int = 0) -> dict:
    key = jax.random.key(seed)
    k1, k2 = jax.random.split(key)
    confidence = jax.random.uniform(k1, (N,), dtype=jnp.float32)
    errors = jax.random.uniform(k2, (N,), dtype=jnp.float32)
    return {"confidence": confidence, "errors": errors}

def reference(confidence, errors):
    # get_bins: sort confidences, permute errors by the same order
    order = jnp.argsort(confidence)
    conf_s = jnp.take(confidence, order)
    err_s = jnp.take(errors, order)
    n = confidence.shape[0]
    # get_indices: torch.linspace(0, N, n_bins+1).long() -> static python ints
    idx = np.linspace(0.0, float(n), N_BINS + 1).astype(np.int64)
    confs = []
    accs = []
    for i in range(N_BINS):
        b1 = int(idx[i])
        b2 = int(idx[i + 1])
        confs.append(conf_s[b1:b2].mean())
        accs.append(1.0 - err_s[b1:b2].sum() / float(b2 - b1))
    confs = jnp.stack(confs)
    accs = jnp.stack(accs)
    return jnp.abs(confs - accs).mean()

if __name__ == "__main__":
    import jax
    _d = setup_inputs()
    print(jax.jit(kernel)(*tuple(_d.values())))

</pallas_src>

<mosaic_0001>
#map = affine_map<(d0, d1) -> (0)>
#map1 = affine_map<(d0, d1) -> (0, 0)>
module attributes {stable_mosaic.version = 14 : i64} {
  func.func @sc_hist(%arg0: i32, %arg1: i32, %arg2: memref<4000000xf32, #tpu.memory_space<hbm>>, %arg3: memref<4000000xf32, #tpu.memory_space<hbm>>, %arg4: memref<512x1024xf32, #tpu.memory_space<hbm>>, %arg5: memref<512x1024xf32, #tpu.memory_space<hbm>>, %arg6: memref<20832xf32, #tpu.memory_space<vmem>>, %arg7: memref<20832xf32, #tpu.memory_space<vmem>>, %arg8: memref<20832xf32, #tpu.memory_space<vmem>>, %arg9: memref<20832xf32, #tpu.memory_space<vmem>>, %arg10: memref<16x1024xf32, #tpu.memory_space<vmem>>, %arg11: memref<16x1024xf32, #tpu.memory_space<vmem>>, %arg12: memref<16xf32, #tpu.memory_space<vmem>>, %arg13: memref<16xf32, #tpu.memory_space<vmem>>, %arg14: memref<!tpu.dma_semaphore, #tpu.memory_space<semaphore_mem>>, %arg15: memref<!tpu.dma_semaphore, #tpu.memory_space<semaphore_mem>>, %arg16: memref<!tpu.dma_semaphore, #tpu.memory_space<semaphore_mem>>, %arg17: memref<!tpu.dma_semaphore, #tpu.memory_space<semaphore_mem>>) attributes {dimension_semantics = [#tpu.dimension_semantics<core_parallel>, #tpu.dimension_semantics<subcore_parallel>], iteration_bounds = array<i64: 2, 16>, scalar_prefetch = 0 : i64, scratch_operands = 12 : i64, tpu.core_type = #tpu.core_type<sc_vector_subcore>, window_params = [{transform_indices = #map}, {transform_indices = #map}, {transform_indices = #map1}, {transform_indices = #map1}]} {
    %mul3A = arith.constant 2 : i32
    %mul3A_0 = arith.muli %arg1, %mul3A : i32
    %add3A = arith.addi %mul3A_0, %arg0 : i32
    %mul3A_1 = arith.constant 125000 : i32
    %mul3A_2 = arith.muli %add3A, %mul3A_1 : i32
    %add3A_3 = arith.constant 0 : i32
    %add3A_4 = arith.addi %mul3A_2, %add3A_3 : i32
    %dma_start3A = tpu.memref_slice %arg2[%add3A_4] : memref<4000000xf32, #tpu.memory_space<hbm>> -> memref<20832xf32, #tpu.memory_space<hbm>>
    %dma_start3A_5 = tpu.memref_slice %arg2[%add3A_4] : memref<4000000xf32, #tpu.memory_space<hbm>> -> memref<20832xf32, #tpu.memory_space<hbm>>
    tpu.enqueue_dma source(%dma_start3A_5 : memref<20832xf32, #tpu.memory_space<hbm>>) target(%arg6 : memref<20832xf32, #tpu.memory_space<vmem>>) target_semaphore(%arg14 : memref<!tpu.dma_semaphore, #tpu.memory_space<semaphore_mem>>)
    %dma_start3A_6 = tpu.memref_slice %arg3[%add3A_4] : memref<4000000xf32, #tpu.memory_space<hbm>> -> memref<20832xf32, #tpu.memory_space<hbm>>
    %dma_start3A_7 = tpu.memref_slice %arg3[%add3A_4] : memref<4000000xf32, #tpu.memory_space<hbm>> -> memref<20832xf32, #tpu.memory_space<hbm>>
    tpu.enqueue_dma source(%dma_start3A_7 : memref<20832xf32, #tpu.memory_space<hbm>>) target(%arg8 : memref<20832xf32, #tpu.memory_space<vmem>>) target_semaphore(%arg16 : memref<!tpu.dma_semaphore, #tpu.memory_space<semaphore_mem>>)
    %broadcast_in_dim3A = arith.constant 0.000000e+00 : f32
    %broadcast_in_dim3A_8 = vector.broadcast %broadcast_in_dim3A : f32 to vector<16xf32>
    %scan3A = arith.constant 0 : i32
    %scan3A_9 = arith.constant 0 : i32
    %scan3A_10 = arith.constant 64 : i32
    %scan3A_11 = arith.addi %scan3A_9, %scan3A_10 : i32
    %scan3A_12 = arith.constant 1 : i32
    %scan3A_13 = scf.for %scan3A_126 = %scan3A_9 to %scan3A_11 step %scan3A_12 iter_args(%scan3A_127 = %scan3A) -> (i32)  : i32 {
      %mul3A_128 = arith.constant 16 : i32
      %mul3A_129 = arith.muli %scan3A_126, %mul3A_128 : i32
      %swap3A = arith.constant 0 : i32
      %swap3A_130 = arith.index_cast %swap3A : i32 to index
      %swap3A_131 = arith.index_cast %mul3A_129 : i32 to index
      %swap3A_132 = tpu.vector_load %arg10[%swap3A_130, %swap3A_131] {strides = array<i32>} : memref<16x1024xf32, #tpu.memory_space<vmem>>, vector<16xf32>,
      tpu.vector_store %arg10[%swap3A_130, %swap3A_131], %broadcast_in_dim3A_8 {strides = array<i32>} : memref<16x1024xf32, #tpu.memory_space<vmem>>, vector<16xf32>,
      %mul3A_133 = arith.constant 16 : i32
      %mul3A_134 = arith.muli %scan3A_126, %mul3A_133 : i32
      %swap3A_135 = arith.constant 0 : i32
      %swap3A_136 = arith.index_cast %swap3A_135 : i32 to index
      %swap3A_137 = arith.index_cast %mul3A_134 : i32 to index
      %swap3A_138 = tpu.vector_load %arg11[%swap3A_136, %swap3A_137] {strides = array<i32>} : memref<16x1024xf32, #tpu.memory_space<vmem>>, vector<16xf32>,
      tpu.vector_store %arg11[%swap3A_136, %swap3A_137], %broadcast_in_dim3A_8 {strides = array<i32>} : memref<16x1024xf32, #tpu.memory_space<vmem>>, vector<16xf32>,
      %mul3A_139 = arith.constant 16 : i32
      %mul3A_140 = arith.muli %scan3A_126, %mul3A_139 : i32
      %swap3A_141 = arith.constant 1 : i32
      %swap3A_142 = arith.index_cast %swap3A_141 : i32 to index
      %swap3A_143 = arith.index_cast %mul3A_140 : i32 to index
      %swap3A_144 = tpu.vector_load %arg10[%swap3A_142, %swap3A_143] {strides = array<i32>} : memref<16x1024xf32, #tpu.memory_space<vmem>>, vector<16xf32>,
      tpu.vector_store %arg10[%swap3A_142, %swap3A_143], %broadcast_in_dim3A_8 {strides = array<i32>} : memref<16x1024xf32, #tpu.memory_space<vmem>>, vector<16xf32>,
      %mul3A_145 = arith.constant 16 : i32
      %mul3A_146 = arith.muli %scan3A_126, %mul3A_145 : i32
      %swap3A_147 = arith.constant 1 : i32
      %swap3A_148 = arith.index_cast %swap3A_147 : i32 to index
      %swap3A_149 = arith.index_cast %mul3A_146 : i32 to index
      %swap3A_150 = tpu.vector_load %arg11[%swap3A_148, %swap3A_149] {strides = array<i32>} : memref<16x1024xf32, #tpu.memory_space<vmem>>, vector<16xf32>,
      tpu.vector_store %arg11[%swap3A_148, %swap3A_149], %broadcast_in_dim3A_8 {strides = array<i32>} : memref<16x1024xf32, #tpu.memory_space<vmem>>, vector<16xf32>,
      %mul3A_151 = arith.constant 16 : i32
      %mul3A_152 = arith.muli %scan3A_126, %mul3A_151 : i32
      %swap3A_153 = arith.constant 2 : i32
      %swap3A_154 = arith.index_cast %swap3A_153 : i32 to index
      %swap3A_155 = arith.index_cast %mul3A_152 : i32 to index
      %swap3A_156 = tpu.vector_load %arg10[%swap3A_154, %swap3A_155] {strides = array<i32>} : memref<16x1024xf32, #tpu.memory_space<vmem>>, vector<16xf32>,
      tpu.vector_store %arg10[%swap3A_154, %swap3A_155], %broadcast_in_dim3A_8 {strides = array<i32>} : memref<16x1024xf32, #tpu.memory_space<vmem>>, vector<16xf32>,
      %mul3A_157 = arith.constant 16 : i32
      %mul3A_158 = arith.muli %scan3A_126, %mul3A_157 : i32
      %swap3A_159 = arith.constant 2 : i32
      %swap3A_160 = arith.index_cast %swap3A_159 : i32 to index
      %swap3A_161 = arith.index_cast %mul3A_158 : i32 to index
      %swap3A_162 = tpu.vector_load %arg11[%swap3A_160, %swap3A_161] {strides = array<i32>} : memref<16x1024xf32, #tpu.memory_space<vmem>>, vector<16xf32>,
      tpu.vector_store %arg11[%swap3A_160, %swap3A_161], %broadcast_in_dim3A_8 {strides = array<i32>} : memref<16x1024xf32, #tpu.memory_space<vmem>>, vector<16xf32>,
      %mul3A_163 = arith.constant 16 : i32
      %mul3A_164 = arith.muli %scan3A_126, %mul3A_163 : i32
      %swap3A_165 = arith.constant 3 : i32
      %swap3A_166 = arith.index_cast %swap3A_165 : i32 to index
      %swap3A_167 = arith.index_cast %mul3A_164 : i32 to index
      %swap3A_168 = tpu.vector_load %arg10[%swap3A_166, %swap3A_167] {strides = array<i32>} : memref<16x1024xf32, #tpu.memory_space<vmem>>, vector<16xf32>,
      tpu.vector_store %arg10[%swap3A_166, %swap3A_167], %broadcast_in_dim3A_8 {strides = array<i32>} : memref<16x1024xf32, #tpu.memory_space<vmem>>, vector<16xf32>,
      %mul3A_169 = arith.constant 16 : i32
      %mul3A_170 = arith.muli %scan3A_126, %mul3A_169 : i32
      %swap3A_171 = arith.constant 3 : i32
      %swap3A_172 = arith.index_cast %swap3A_171 : i32 to index
      %swap3A_173 = arith.index_cast %mul3A_170 : i32 to index
      %swap3A_174 = tpu.vector_load %arg11[%swap3A_172, %swap3A_173] {strides = array<i32>} : memref<16x1024xf32, #tpu.memory_space<vmem>>, vector<16xf32>,
      tpu.vector_store %arg11[%swap3A_172, %swap3A_173], %broadcast_in_dim3A_8 {strides = array<i32>} : memref<16x1024xf32, #tpu.memory_space<vmem>>, vector<16xf32>,
      %mul3A_175 = arith.constant 16 : i32
      %mul3A_176 = arith.muli %scan3A_126, %mul3A_175 : i32
      %swap3A_177 = arith.constant 4 : i32
      %swap3A_178 = arith.index_cast %swap3A_177 : i32 to index
      %swap3A_179 = arith.index_cast %mul3A_176 : i32 to index
      %swap3A_180 = tpu.vector_load %arg10[%swap3A_178, %swap3A_179] {strides = array<i32>} : memref<16x1024xf32, #tpu.memory_space<vmem>>, vector<16xf32>,
      tpu.vector_store %arg10[%swap3A_178, %swap3A_179], %broadcast_in_dim3A_8 {strides = array<i32>} : memref<16x1024xf32, #tpu.memory_space<vmem>>, vector<16xf32>,
      %mul3A_181 = arith.constant 16 : i32
      %mul3A_182 = arith.muli %scan3A_126, %mul3A_181 : i32
      %swap3A_183 = arith.constant 4 : i32
      %swap3A_184 = arith.index_cast %swap3A_183 : i32 to index
      %swap3A_185 = arith.index_cast %mul3A_182 : i32 to index
      %swap3A_186 = tpu.vector_load %arg11[%swap3A_184, %swap3A_185] {strides = array<i32>} : memref<16x1024xf32, #tpu.memory_space<vmem>>, vector<16xf32>,
      tpu.vector_store %arg11[%swap3A_184, %swap3A_185], %broadcast_in_dim3A_8 {strides = array<i32>} : memref<16x1024xf32, #tpu.memory_space<vmem>>, vector<16xf32>,
      %mul3A_187 = arith.constant 16 : i32
      %mul3A_188 = arith.muli %scan3A_126, %mul3A_187 : i32
      %swap3A_189 = arith.constant 5 : i32
      %swap3A_190 = arith.index_cast %swap3A_189 : i32 to index
      %swap3A_191 = arith.index_cast %mul3A_188 : i32 to index
      %swap3A_192 = tpu.vector_load %arg10[%swap3A_190, %swap3A_191] {strides = array<i32>} : memref<16x1024xf32, #tpu.memory_space<vmem>>, vector<16xf32>,
      tpu.vector_store %arg10[%swap3A_190, %swap3A_191], %broadcast_in_dim3A_8 {strides = array<i32>} : memref<16x1024xf32, #tpu.memory_space<vmem>>, vector<16xf32>,
      %mul3A_193 = arith.constant 16 : i32
      %mul3A_194 = arith.muli %scan3A_126, %mul3A_193 : i32
      %swap3A_195 = arith.constant 5 : i32
      %swap3A_196 = arith.index_cast %swap3A_195 : i32 to index
      %swap3A_197 = arith.index_cast %mul3A_194 : i32 to index
      %swap3A_198 = tpu.vector_load %arg11[%swap3A_196, %swap3A_197] {strides = array<i32>} : memref<16x1024xf32, #tpu.memory_space<vmem>>, vector<16xf32>,
      tpu.vector_store %arg11[%swap3A_196, %swap3A_197], %broadcast_in_dim3A_8 {strides = array<i32>} : memref<16x1024xf32, #tpu.memory_space<vmem>>, vector<16xf32>,
      %mul3A_199 = arith.constant 16 : i32
      %mul3A_200 = arith.muli %scan3A_126, %mul3A_199 : i32
      %swap3A_201 = arith.constant 6 : i32
      %swap3A_202 = arith.index_cast %swap3A_201 : i32 to index
      %swap3A_203 = arith.index_cast %mul3A_200 : i32 to index
      %swap3A_204 = tpu.vector_load %arg10[%swap3A_202, %swap3A_203] {strides = array<i32>} : memref<16x1024xf32, #tpu.memory_space<vmem>>, vector<16xf32>,
      tpu.vector_store %arg10[%swap3A_202, %swap3A_203], %broadcast_in_dim3A_8 {strides = array<i32>} : memref<16x1024xf32, #tpu.memory_space<vmem>>, vector<16xf32>,
      %mul3A_205 = arith.constant 16 : i32
      %mul3A_206 = arith.muli %scan3A_126, %mul3A_205 : i32
      %swap3A_207 = arith.constant 6 : i32
      %swap3A_208 = arith.index_cast %swap3A_207 : i32 to index
      %swap3A_209 = arith.index_cast %mul3A_206 : i32 to index
      %swap3A_210 = tpu.vector_load %arg11[%swap3A_208, %swap3A_209] {strides = array<i32>} : memref<16x1024xf32, #tpu.memory_space<vmem>>, vector<16xf32>,
      tpu.vector_store %arg11[%swap3A_208, %swap3A_209], %broadcast_in_dim3A_8 {strides = array<i32>} : memref<16x1024xf32, #tpu.memory_space<vmem>>, vector<16xf32>,
      %mul3A_211 = arith.constant 16 : i32
      %mul3A_212 = arith.muli %scan3A_126, %mul3A_211 : i32
      %swap3A_213 = arith.constant 7 : i32
      %swap3A_214 = arith.index_cast %swap3A_213 : i32 to index
      %swap3A_215 = arith.index_cast %mul3A_212 : i32 to index
      %swap3A_216 = tpu.vector_load %arg10[%swap3A_214, %swap3A_215] {strides = array<i32>} : memref<16x1024xf32, #tpu.memory_space<vmem>>, vector<16xf32>,
      tpu.vector_store %arg10[%swap3A_214, %swap3A_215], %broadcast_in_dim3A_8 {strides = array<i32>} : memref<16x1024xf32, #tpu.memory_space<vmem>>, vector<16xf32>,
      %mul3A_217 = arith.constant 16 : i32
      %mul3A_218 = arith.muli %scan3A_126, %mul3A_217 : i32
      %swap3A_219 = arith.constant 7 : i32
      %swap3A_220 = arith.index_cast %swap3A_219 : i32 to index
      %swap3A_221 = arith.index_cast %mul3A_218 : i32 to index
      %swap3A_222 = tpu.vector_load %arg11[%swap3A_220, %swap3A_221] {strides = array<i32>} : memref<16x1024xf32, #tpu.memory_space<vmem>>, vector<16xf32>,
      tpu.vector_store %arg11[%swap3A_220, %swap3A_221], %broadcast_in_dim3A_8 {strides = array<i32>} : memref<16x1024xf32, #tpu.memory_space<vmem>>, vector<16xf32>,
      %mul3A_223 = arith.constant 16 : i32
      %mul3A_224 = arith.muli %scan3A_126, %mul3A_223 : i32
      %swap3A_225 = arith.constant 8 : i32
      %swap3A_226 = arith.index_cast %swap3A_225 : i32 to index
      %swap3A_227 = arith.index_cast %mul3A_224 : i32 to index
      %swap3A_228 = tpu.vector_load %arg10[%swap3A_226, %swap3A_227] {strides = array<i32>} : memref<16x1024xf32, #tpu.memory_space<vmem>>, vector<16xf32>,
      tpu.vector_store %arg10[%swap3A_226, %swap3A_227], %broadcast_in_dim3A_8 {strides = array<i32>} : memref<16x1024xf32, #tpu.memory_space<vmem>>, vector<16xf32>,
      %mul3A_229 = arith.constant 16 : i32
      %mul3A_230 = arith.muli %scan3A_126, %mul3A_229 : i32
      %swap3A_231 = arith.constant 8 : i32
      %swap3A_232 = arith.index_cast %swap3A_231 : i32 to index
      %swap3A_233 = arith.index_cast %mul3A_230 : i32 to index
      %swap3A_234 = tpu.vector_load %arg11[%swap3A_232, %swap3A_233] {strides = array<i32>} : memref<16x1024xf32, #tpu.memory_space<vmem>>, vector<16xf32>,
      tpu.vector_store %arg11[%swap3A_232, %swap3A_233], %broadcast_in_dim3A_8 {strides = array<i32>} : memref<16x1024xf32, #tpu.memory_space<vmem>>, vector<16xf32>,
      %mul3A_235 = arith.constant 16 : i32
      %mul3A_236 = arith.muli %scan3A_126, %mul3A_235 : i32
      %swap3A_237 = arith.constant 9 : i32
      %swap3A_238 = arith.index_cast %swap3A_237 : i32 to index
      %swap3A_239 = arith.index_cast %mul3A_236 : i32 to index
      %swap3A_240 = tpu.vector_load %arg10[%swap3A_238, %swap3A_239] {strides = array<i32>} : memref<16x1024xf32, #tpu.memory_space<vmem>>, vector<16xf32>,
      tpu.vector_store %arg10[%swap3A_238, %swap3A_239], %broadcast_in_dim3A_8 {strides = array<i32>} : memref<16x1024xf32, #tpu.memory_space<vmem>>, vector<16xf32>,
      %mul3A_241 = arith.constant 16 : i32
      %mul3A_242 = arith.muli %scan3A_126, %mul3A_241 : i32
      %swap3A_243 = arith.constant 9 : i32
      %swap3A_244 = arith.index_cast %swap3A_243 : i32 to index
      %swap3A_245 = arith.index_cast %mul3A_242 : i32 to index
      %swap3A_246 = tpu.vector_load %arg11[%swap3A_244, %swap3A_245] {strides = array<i32>} : memref<16x1024xf32, #tpu.memory_space<vmem>>, vector<16xf32>,
      tpu.vector_store %arg11[%swap3A_244, %swap3A_245], %broadcast_in_dim3A_8 {strides = array<i32>} : memref<16x1024xf32, #tpu.memory_space<vmem>>, vector<16xf32>,
      %mul3A_247 = arith.constant 16 : i32
      %mul3A_248 = arith.muli %scan3A_126, %mul3A_247 : i32
      %swap3A_249 = arith.constant 10 : i32
      %swap3A_250 = arith.index_cast %swap3A_249 : i32 to index
      %swap3A_251 = arith.index_cast %mul3A_248 : i32 to index
      %swap3A_252 = tpu.vector_load %arg10[%swap3A_250, %swap3A_251] {strides = array<i32>} : memref<16x1024xf32, #tpu.memory_space<vmem>>, vector<16xf32>,
      tpu.vector_store %arg10[%swap3A_250, %swap3A_251], %broadcast_in_dim3A_8 {strides = array<i32>} : memref<16x1024xf32, #tpu.memory_space<vmem>>, vector<16xf32>,
      %mul3A_253 = arith.constant 16 : i32
      %mul3A_254 = arith.muli %scan3A_126, %mul3A_253 : i32
      %swap3A_255 = arith.constant 10 : i32
      %swap3A_256 = arith.index_cast %swap3A_255 : i32 to index
      %swap3A_257 = arith.index_cast %mul3A_254 : i32 to index
      %swap3A_258 = tpu.vector_load %arg11[%swap3A_256, %swap3A_257] {strides = array<i32>} : memref<16x1024xf32, #tpu.memory_space<vmem>>, vector<16xf32>,
      tpu.vector_store %arg11[%swap3A_256, %swap3A_257], %broadcast_in_dim3A_8 {strides = array<i32>} : memref<16x1024xf32, #tpu.memory_space<vmem>>, vector<16xf32>,
      %mul3A_259 = arith.constant 16 : i32
      %mul3A_260 = arith.muli %scan3A_126, %mul3A_259 : i32
      %swap3A_261 = arith.constant 11 : i32
      %swap3A_262 = arith.index_cast %swap3A_261 : i32 to index
      %swap3A_263 = arith.index_cast %mul3A_260 : i32 to index
      %swap3A_264 = tpu.vector_load %arg10[%swap3A_262, %swap3A_263] {strides = array<i32>} : memref<16x1024xf32, #tpu.memory_space<vmem>>, vector<16xf32>,
      tpu.vector_store %arg10[%swap3A_262, %swap3A_263], %broadcast_in_dim3A_8 {strides = array<i32>} : memref<16x1024xf32, #tpu.memory_space<vmem>>, vector<16xf32>,
      %mul3A_265 = arith.constant 16 : i32
      %mul3A_266 = arith.muli %scan3A_126, %mul3A_265 : i32
      %swap3A_267 = arith.constant 11 : i32
      %swap3A_268 = arith.index_cast %swap3A_267 : i32 to index
      %swap3A_269 = arith.index_cast %mul3A_266 : i32 to index
      %swap3A_270 = tpu.vector_load %arg11[%swap3A_268, %swap3A_269] {strides = array<i32>} : memref<16x1024xf32, #tpu.memory_space<vmem>>, vector<16xf32>,
      tpu.vector_store %arg11[%swap3A_268, %swap3A_269], %broadcast_in_dim3A_8 {strides = array<i32>} : memref<16x1024xf32, #tpu.memory_space<vmem>>, vector<16xf32>,
      %mul3A_271 = arith.constant 16 : i32
      %mul3A_272 = arith.muli %scan3A_126, %mul3A_271 : i32
      %swap3A_273 = arith.constant 12 : i32
      %swap3A_274 = arith.index_cast %swap3A_273 : i32 to index
      %swap3A_275 = arith.index_cast %mul3A_272 : i32 to index
      %swap3A_276 = tpu.vector_load %arg10[%swap3A_274, %swap3A_275] {strides = array<i32>} : memref<16x1024xf32, #tpu.memory_space<vmem>>, vector<16xf32>,
      tpu.vector_store %arg10[%swap3A_274, %swap3A_275], %broadcast_in_dim3A_8 {strides = array<i32>} : memref<16x1024xf32, #tpu.memory_space<vmem>>, vector<16xf32>,
      %mul3A_277 = arith.constant 16 : i32
      %mul3A_278 = arith.muli %scan3A_126, %mul3A_277 : i32
      %swap3A_279 = arith.constant 12 : i32
      %swap3A_280 = arith.index_cast %swap3A_279 : i32 to index
      %swap3A_281 = arith.index_cast %mul3A_278 : i32 to index
      %swap3A_282 = tpu.vector_load %arg11[%swap3A_280, %swap3A_281] {strides = array<i32>} : memref<16x1024xf32, #tpu.memory_space<vmem>>, vector<16xf32>,
      tpu.vector_store %arg11[%swap3A_280, %swap3A_281], %broadcast_in_dim3A_8 {strides = array<i32>} : memref<16x1024xf32, #tpu.memory_space<vmem>>, vector<16xf32>,
      %mul3A_283 = arith.constant 16 : i32
      %mul3A_284 = arith.muli %scan3A_126, %mul3A_283 : i32
      %swap3A_285 = arith.constant 13 : i32
      %swap3A_286 = arith.index_cast %swap3A_285 : i32 to index
      %swap3A_287 = arith.index_cast %mul3A_284 : i32 to index
      %swap3A_288 = tpu.vector_load %arg10[%swap3A_286, %swap3A_287] {strides = array<i32>} : memref<16x1024xf32, #tpu.memory_space<vmem>>, vector<16xf32>,
      tpu.vector_store %arg10[%swap3A_286, %swap3A_287], %broadcast_in_dim3A_8 {strides = array<i32>} : memref<16x1024xf32, #tpu.memory_space<vmem>>, vector<16xf32>,
      %mul3A_289 = arith.constant 16 : i32
      %mul3A_290 = arith.muli %scan3A_126, %mul3A_289 : i32
      %swap3A_291 = arith.constant 13 : i32
      %swap3A_292 = arith.index_cast %swap3A_291 : i32 to index
      %swap3A_293 = arith.index_cast %mul3A_290 : i32 to index
      %swap3A_294 = tpu.vector_load %arg11[%swap3A_292, %swap3A_293] {strides = array<i32>} : memref<16x1024xf32, #tpu.memory_space<vmem>>, vector<16xf32>,
      tpu.vector_store %arg11[%swap3A_292, %swap3A_293], %broadcast_in_dim3A_8 {strides = array<i32>} : memref<16x1024xf32, #tpu.memory_space<vmem>>, vector<16xf32>,
      %mul3A_295 = arith.constant 16 : i32
      %mul3A_296 = arith.muli %scan3A_126, %mul3A_295 : i32
      %swap3A_297 = arith.constant 14 : i32
      %swap3A_298 = arith.index_cast %swap3A_297 : i32 to index
      %swap3A_299 = arith.index_cast %mul3A_296 : i32 to index
      %swap3A_300 = tpu.vector_load %arg10[%swap3A_298, %swap3A_299] {strides = array<i32>} : memref<16x1024xf32, #tpu.memory_space<vmem>>, vector<16xf32>,
      tpu.vector_store %arg10[%swap3A_298, %swap3A_299], %broadcast_in_dim3A_8 {strides = array<i32>} : memref<16x1024xf32, #tpu.memory_space<vmem>>, vector<16xf32>,
      %mul3A_301 = arith.constant 16 : i32
      %mul3A_302 = arith.muli %scan3A_126, %mul3A_301 : i32
      %swap3A_303 = arith.constant 14 : i32
      %swap3A_304 = arith.index_cast %swap3A_303 : i32 to index
      %swap3A_305 = arith.index_cast %mul3A_302 : i32 to index
      %swap3A_306 = tpu.vector_load %arg11[%swap3A_304, %swap3A_305] {strides = array<i32>} : memref<16x1024xf32, #tpu.memory_space<vmem>>, vector<16xf32>,
      tpu.vector_store %arg11[%swap3A_304, %swap3A_305], %broadcast_in_dim3A_8 {strides = array<i32>} : memref<16x1024xf32, #tpu.memory_space<vmem>>, vector<16xf32>,
      %mul3A_307 = arith.constant 16 : i32
      %mul3A_308 = arith.muli %scan3A_126, %mul3A_307 : i32
      %swap3A_309 = arith.constant 15 : i32
      %swap3A_310 = arith.index_cast %swap3A_309 : i32 to index
      %swap3A_311 = arith.index_cast %mul3A_308 : i32 to index
      %swap3A_312 = tpu.vector_load %arg10[%swap3A_310, %swap3A_311] {strides = array<i32>} : memref<16x1024xf32, #tpu.memory_space<vmem>>, vector<16xf32>,
      tpu.vector_store %arg10[%swap3A_310, %swap3A_311], %broadcast_in_dim3A_8 {strides = array<i32>} : memref<16x1024xf32, #tpu.memory_space<vmem>>, vector<16xf32>,
      %mul3A_313 = arith.constant 16 : i32
      %mul3A_314 = arith.muli %scan3A_126, %mul3A_313 : i32
      %swap3A_315 = arith.constant 15 : i32
      %swap3A_316 = arith.index_cast %swap3A_315 : i32 to index
      %swap3A_317 = arith.index_cast %mul3A_314 : i32 to index
      %swap3A_318 = tpu.vector_load %arg11[%swap3A_316, %swap3A_317] {strides = array<i32>} : memref<16x1024xf32, #tpu.memory_space<vmem>>, vector<16xf32>,
      tpu.vector_store %arg11[%swap3A_316, %swap3A_317], %broadcast_in_dim3A_8 {strides = array<i32>} : memref<16x1024xf32, #tpu.memory_space<vmem>>, vector<16xf32>,
      %scan3A_319 = arith.constant 0 : i32
      scf.yield %scan3A_319 : i32
    }
    %scan3A_14 = arith.constant 64 : i32
    %iota3A = tpu.iota {dimensions = array<i32: 0>} : vector<16xi32>
    %lt3A = arith.constant 16 : i32
    %lt3A_15 = vector.broadcast %lt3A : i32 to vector<16xi32>
    %lt3A_16 = arith.cmpi slt, %iota3A, %lt3A_15 : vector<16xi32>
    %ge3A = arith.constant 8 : i32
    %ge3A_17 = vector.broadcast %ge3A : i32 to vector<16xi32>
    %ge3A_18 = arith.cmpi sge, %iota3A, %ge3A_17 : vector<16xi32>
    %add3A_19 = arith.constant 20832 : i32
    %add3A_20 = arith.addi %mul3A_2, %add3A_19 : i32
    %dma_start3A_21 = tpu.memref_slice %arg2[%add3A_20] : memref<4000000xf32, #tpu.memory_space<hbm>> -> memref<20832xf32, #tpu.memory_space<hbm>>
    %dma_start3A_22 = tpu.memref_slice %arg2[%add3A_20] : memref<4000000xf32, #tpu.memory_space<hbm>> -> memref<20832xf32, #tpu.memory_space<hbm>>
    tpu.enqueue_dma source(%dma_start3A_22 : memref<20832xf32, #tpu.memory_space<hbm>>) target(%arg7 : memref<20832xf32, #tpu.memory_space<vmem>>) target_semaphore(%arg15 : memref<!tpu.dma_semaphore, #tpu.memory_space<semaphore_mem>>)
    %dma_start3A_23 = tpu.memref_slice %arg3[%add3A_20] : memref<4000000xf32, #tpu.memory_space<hbm>> -> memref<20832xf32, #tpu.memory_space<hbm>>
    %dma_start3A_24 = tpu.memref_slice %arg3[%add3A_20] : memref<4000000xf32, #tpu.memory_space<hbm>> -> memref<20832xf32, #tpu.memory_space<hbm>>
    tpu.enqueue_dma source(%dma_start3A_24 : memref<20832xf32, #tpu.memory_space<hbm>>) target(%arg9 : memref<20832xf32, #tpu.memory_space<vmem>>) target_semaphore(%arg17 : memref<!tpu.dma_semaphore, #tpu.memory_space<semaphore_mem>>)
    %add3A_25 = arith.constant 0 : i32
    %add3A_26 = arith.addi %mul3A_2, %add3A_25 : i32
    %dma_wait3A = tpu.memref_slice %arg2[%add3A_26] : memref<4000000xf32, #tpu.memory_space<hbm>> -> memref<20832xf32, #tpu.memory_space<hbm>>
    %dma_wait3A_27 = tpu.memref_slice %arg2[%add3A_26] : memref<4000000xf32, #tpu.memory_space<hbm>> -> memref<20832xf32, #tpu.memory_space<hbm>>
    tpu.wait_dma2 semaphore(%arg14 : memref<!tpu.dma_semaphore, #tpu.memory_space<semaphore_mem>>) src(%dma_wait3A_27 : memref<20832xf32, #tpu.memory_space<hbm>>) dst(%arg6 : memref<20832xf32, #tpu.memory_space<vmem>>)
    %dma_wait3A_28 = tpu.memref_slice %arg3[%add3A_26] : memref<4000000xf32, #tpu.memory_space<hbm>> -> memref<20832xf32, #tpu.memory_space<hbm>>
    %dma_wait3A_29 = tpu.memref_slice %arg3[%add3A_26] : memref<4000000xf32, #tpu.memory_space<hbm>> -> memref<20832xf32, #tpu.memory_space<hbm>>
    tpu.wait_dma2 semaphore(%arg16 : memref<!tpu.dma_semaphore, #tpu.memory_space<semaphore_mem>>) src(%dma_wait3A_29 : memref<20832xf32, #tpu.memory_space<hbm>>) dst(%arg8 : memref<20832xf32, #tpu.memory_space<vmem>>)
    %parallel_loop3A = arith.constant 0 : i32
    %parallel_loop3A_30 = arith.constant 1302 : i32
    %parallel_loop3A_31 = arith.constant 1 : i32
    scf.for %parallel_loop3A_126 = %parallel_loop3A to %parallel_loop3A_30 step %parallel_loop3A_31  : i32 {
      %parallel_loop3A_127 = arith.constant 16 : i32
      %parallel_loop3A_128 = arith.muli %parallel_loop3A_126, %parallel_loop3A_127 : i32
      %parallel_loop3A_129 = arith.index_cast %parallel_loop3A_128 : i32 to index
      %parallel_loop3A_130 = tpu.vector_load %arg6[%parallel_loop3A_129] {strides = array<i32>} : memref<20832xf32, #tpu.memory_space<vmem>>, vector<16xf32>,
      %parallel_loop3A_131 = arith.constant 16 : i32
      %parallel_loop3A_132 = arith.muli %parallel_loop3A_126, %parallel_loop3A_131 : i32
      %parallel_loop3A_133 = arith.index_cast %parallel_loop3A_132 : i32 to index
      %parallel_loop3A_134 = tpu.vector_load %arg8[%parallel_loop3A_133] {strides = array<i32>} : memref<20832xf32, #tpu.memory_space<vmem>>, vector<16xf32>,
      %parallel_loop3A_135 = arith.constant 1.024000e+03 : f32
      %parallel_loop3A_136 = vector.broadcast %parallel_loop3A_135 : f32 to vector<16xf32>
      %parallel_loop3A_137 = arith.mulf %parallel_loop3A_130, %parallel_loop3A_136 : vector<16xf32>
      %parallel_loop3A_138 = arith.fptosi %parallel_loop3A_137 : vector<16xf32> to vector<16xi32>
      %parallel_loop3A_139 = arith.sitofp %parallel_loop3A_138 : vector<16xi32> to vector<16xf32>
      %parallel_loop3A_140 = arith.subf %parallel_loop3A_137, %parallel_loop3A_139 : vector<16xf32>
      %parallel_loop3A_141 = arith.constant 1.22070313E-4 : f32
      %parallel_loop3A_142 = vector.broadcast %parallel_loop3A_141 : f32 to vector<16xf32>
      %parallel_loop3A_143 = arith.mulf %parallel_loop3A_140, %parallel_loop3A_142 : vector<16xf32>
      %parallel_loop3A_144 = arith.constant 0.999938964 : f32
      %parallel_loop3A_145 = vector.broadcast %parallel_loop3A_144 : f32 to vector<16xf32>
      %parallel_loop3A_146 = arith.addf %parallel_loop3A_143, %parallel_loop3A_145 : vector<16xf32>
      tpu.vector_store_idx %arg10[%iota3A, %parallel_loop3A_138], %parallel_loop3A_146 masked %lt3A_16 {add = true} : memref<16x1024xf32, #tpu.memory_space<vmem>>[vector<16xi32>, vector<16xi32>], vector<16xf32>, vector<16xi1>
      tpu.vector_store_idx %arg11[%iota3A, %parallel_loop3A_138], %parallel_loop3A_134 masked %lt3A_16 {add = true} : memref<16x1024xf32, #tpu.memory_space<vmem>>[vector<16xi32>, vector<16xi32>], vector<16xf32>, vector<16xi1>
    } {sc.loop_unroll_factor = 6 : i64, sc.parallel_access}
    %add3A_32 = arith.constant 41664 : i32
    %add3A_33 = arith.addi %mul3A_2, %add3A_32 : i32
    %dma_start3A_34 = tpu.memref_slice %arg2[%add3A_33] : memref<4000000xf32, #tpu.memory_space<hbm>> -> memref<20832xf32, #tpu.memory_space<hbm>>
    %dma_start3A_35 = tpu.memref_slice %arg2[%add3A_33] : memref<4000000xf32, #tpu.memory_space<hbm>> -> memref<20832xf32, #tpu.memory_space<hbm>>
    tpu.enqueue_dma source(%dma_start3A_35 : memref<20832xf32, #tpu.memory_space<hbm>>) target(%arg6 : memref<20832xf32, #tpu.memory_space<vmem>>) target_semaphore(%arg14 : memref<!tpu.dma_semaphore, #tpu.memory_space<semaphore_mem>>)
    %dma_start3A_36 = tpu.memref_slice %arg3[%add3A_33] : memref<4000000xf32, #tpu.memory_space<hbm>> -> memref<20832xf32, #tpu.memory_space<hbm>>
    %dma_start3A_37 = tpu.memref_slice %arg3[%add3A_33] : memref<4000000xf32, #tpu.memory_space<hbm>> -> memref<20832xf32, #tpu.memory_space<hbm>>
    tpu.enqueue_dma source(%dma_start3A_37 : memref<20832xf32, #tpu.memory_space<hbm>>) target(%arg8 : memref<20832xf32, #tpu.memory_space<vmem>>) target_semaphore(%arg16 : memref<!tpu.dma_semaphore, #tpu.memory_space<semaphore_mem>>)
    %add3A_38 = arith.constant 20832 : i32
    %add3A_39 = arith.addi %mul3A_2, %add3A_38 : i32
    %dma_wait3A_40 = tpu.memref_slice %arg2[%add3A_39] : memref<4000000xf32, #tpu.memory_space<hbm>> -> memref<20832xf32, #tpu.memory_space<hbm>>
    %dma_wait3A_41 = tpu.memref_slice %arg2[%add3A_39] : memref<4000000xf32, #tpu.memory_space<hbm>> -> memref<20832xf32, #tpu.memory_space<hbm>>
    tpu.wait_dma2 semaphore(%arg15 : memref<!tpu.dma_semaphore, #tpu.memory_space<semaphore_mem>>) src(%dma_wait3A_41 : memref<20832xf32, #tpu.memory_space<hbm>>) dst(%arg7 : memref<20832xf32, #tpu.memory_space<vmem>>)
    %dma_wait3A_42 = tpu.memref_slice %arg3[%add3A_39] : memref<4000000xf32, #tpu.memory_space<hbm>> -> memref<20832xf32, #tpu.memory_space<hbm>>
    %dma_wait3A_43 = tpu.memref_slice %arg3[%add3A_39] : memref<4000000xf32, #tpu.memory_space<hbm>> -> memref<20832xf32, #tpu.memory_space<hbm>>
    tpu.wait_dma2 semaphore(%arg17 : memref<!tpu.dma_semaphore, #tpu.memory_space<semaphore_mem>>) src(%dma_wait3A_43 : memref<20832xf32, #tpu.memory_space<hbm>>) dst(%arg9 : memref<20832xf32, #tpu.memory_space<vmem>>)
    %parallel_loop3A_44 = arith.constant 0 : i32
    %parallel_loop3A_45 = arith.constant 1302 : i32
    %parallel_loop3A_46 = arith.constant 1 : i32
    scf.for %parallel_loop3A_126 = %parallel_loop3A_44 to %parallel_loop3A_45 step %parallel_loop3A_46  : i32 {
      %parallel_loop3A_127 = arith.constant 16 : i32
      %parallel_loop3A_128 = arith.muli %parallel_loop3A_126, %parallel_loop3A_127 : i32
      %parallel_loop3A_129 = arith.index_cast %parallel_loop3A_128 : i32 to index
      %parallel_loop3A_130 = tpu.vector_load %arg7[%parallel_loop3A_129] {strides = array<i32>} : memref<20832xf32, #tpu.memory_space<vmem>>, vector<16xf32>,
      %parallel_loop3A_131 = arith.constant 16 : i32
      %parallel_loop3A_132 = arith.muli %parallel_loop3A_126, %parallel_loop3A_131 : i32
      %parallel_loop3A_133 = arith.index_cast %parallel_loop3A_132 : i32 to index
      %parallel_loop3A_134 = tpu.vector_load %arg9[%parallel_loop3A_133] {strides = array<i32>} : memref<20832xf32, #tpu.memory_space<vmem>>, vector<16xf32>,
      %parallel_loop3A_135 = arith.constant 1.024000e+03 : f32
      %parallel_loop3A_136 = vector.broadcast %parallel_loop3A_135 : f32 to vector<16xf32>
      %parallel_loop3A_137 = arith.mulf %parallel_loop3A_130, %parallel_loop3A_136 : vector<16xf32>
      %parallel_loop3A_138 = arith.fptosi %parallel_loop3A_137 : vector<16xf32> to vector<16xi32>
      %parallel_loop3A_139 = arith.sitofp %parallel_loop3A_138 : vector<16xi32> to vector<16xf32>
      %parallel_loop3A_140 = arith.subf %parallel_loop3A_137, %parallel_loop3A_139 : vector<16xf32>
      %parallel_loop3A_141 = arith.constant 1.22070313E-4 : f32
      %parallel_loop3A_142 = vector.broadcast %parallel_loop3A_141 : f32 to vector<16xf32>
      %parallel_loop3A_143 = arith.mulf %parallel_loop3A_140, %parallel_loop3A_142 : vector<16xf32>
      %parallel_loop3A_144 = arith.constant 0.999938964 : f32
      %parallel_loop3A_145 = vector.broadcast %parallel_loop3A_144 : f32 to vector<16xf32>
      %parallel_loop3A_146 = arith.addf %parallel_loop3A_143, %parallel_loop3A_145 : vector<16xf32>
      tpu.vector_store_idx %arg10[%iota3A, %parallel_loop3A_138], %parallel_loop3A_146 masked %lt3A_16 {add = true} : memref<16x1024xf32, #tpu.memory_space<vmem>>[vector<16xi32>, vector<16xi32>], vector<16xf32>, vector<16xi1>
      tpu.vector_store_idx %arg11[%iota3A, %parallel_loop3A_138], %parallel_loop3A_134 masked %lt3A_16 {add = true} : memref<16x1024xf32, #tpu.memory_space<vmem>>[vector<16xi32>, vector<16xi32>], vector<16xf32>, vector<16xi1>
    } {sc.loop_unroll_factor = 6 : i64, sc.parallel_access}
    %add3A_47 = arith.constant 62496 : i32
    %add3A_48 = arith.addi %mul3A_2, %add3A_47 : i32
    %dma_start3A_49 = tpu.memref_slice %arg2[%add3A_48] : memref<4000000xf32, #tpu.memory_space<hbm>> -> memref<20832xf32, #tpu.memory_space<hbm>>
    %dma_start3A_50 = tpu.memref_slice %arg2[%add3A_48] : memref<4000000xf32, #tpu.memory_space<hbm>> -> memref<20832xf32, #tpu.memory_space<hbm>>
    tpu.enqueue_dma source(%dma_start3A_50 : memref<20832xf32, #tpu.memory_space<hbm>>) target(%arg7 : memref<20832xf32, #tpu.memory_space<vmem>>) target_semaphore(%arg15 : memref<!tpu.dma_semaphore, #tpu.memory_space<semaphore_mem>>)
    %dma_start3A_51 = tpu.memref_slice %arg3[%add3A_48] : memref<4000000xf32, #tpu.memory_space<hbm>> -> memref<20832xf32, #tpu.memory_space<hbm>>
    %dma_start3A_52 = tpu.memref_slice %arg3[%add3A_48] : memref<4000000xf32, #tpu.memory_space<hbm>> -> memref<20832xf32, #tpu.memory_space<hbm>>
    tpu.enqueue_dma source(%dma_start3A_52 : memref<20832xf32, #tpu.memory_space<hbm>>) target(%arg9 : memref<20832xf32, #tpu.memory_space<vmem>>) target_semaphore(%arg17 : memref<!tpu.dma_semaphore, #tpu.memory_space<semaphore_mem>>)
    %add3A_53 = arith.constant 41664 : i32
    %add3A_54 = arith.addi %mul3A_2, %add3A_53 : i32
    %dma_wait3A_55 = tpu.memref_slice %arg2[%add3A_54] : memref<4000000xf32, #tpu.memory_space<hbm>> -> memref<20832xf32, #tpu.memory_space<hbm>>
    %dma_wait3A_56 = tpu.memref_slice %arg2[%add3A_54] : memref<4000000xf32, #tpu.memory_space<hbm>> -> memref<20832xf32, #tpu.memory_space<hbm>>
    tpu.wait_dma2 semaphore(%arg14 : memref<!tpu.dma_semaphore, #tpu.memory_space<semaphore_mem>>) src(%dma_wait3A_56 : memref<20832xf32, #tpu.memory_space<hbm>>) dst(%arg6 : memref<20832xf32, #tpu.memory_space<vmem>>)
    %dma_wait3A_57 = tpu.memref_slice %arg3[%add3A_54] : memref<4000000xf32, #tpu.memory_space<hbm>> -> memref<20832xf32, #tpu.memory_space<hbm>>
    %dma_wait3A_58 = tpu.memref_slice %arg3[%add3A_54] : memref<4000000xf32, #tpu.memory_space<hbm>> -> memref<20832xf32, #tpu.memory_space<hbm>>
    tpu.wait_dma2 semaphore(%arg16 : memref<!tpu.dma_semaphore, #tpu.memory_space<semaphore_mem>>) src(%dma_wait3A_58 : memref<20832xf32, #tpu.memory_space<hbm>>) dst(%arg8 : memref<20832xf32, #tpu.memory_space<vmem>>)
    %parallel_loop3A_59 = arith.constant 0 : i32
    %parallel_loop3A_60 = arith.constant 1302 : i32
    %parallel_loop3A_61 = arith.constant 1 : i32
    scf.for %parallel_loop3A_126 = %parallel_loop3A_59 to %parallel_loop3A_60 step %parallel_loop3A_61  : i32 {
      %parallel_loop3A_127 = arith.constant 16 : i32
      %parallel_loop3A_128 = arith.muli %parallel_loop3A_126, %parallel_loop3A_127 : i32
      %parallel_loop3A_129 = arith.index_cast %parallel_loop3A_128 : i32 to index
      %parallel_loop3A_130 = tpu.vector_load %arg6[%parallel_loop3A_129] {strides = array<i32>} : memref<20832xf32, #tpu.memory_space<vmem>>, vector<16xf32>,
      %parallel_loop3A_131 = arith.constant 16 : i32
      %parallel_loop3A_132 = arith.muli %parallel_loop3A_126, %parallel_loop3A_131 : i32
      %parallel_loop3A_133 = arith.index_cast %parallel_loop3A_132 : i32 to index
      %parallel_loop3A_134 = tpu.vector_load %arg8[%parallel_loop3A_133] {strides = array<i32>} : memref<20832xf32, #tpu.memory_space<vmem>>, vector<16xf32>,
      %parallel_loop3A_135 = arith.constant 1.024000e+03 : f32
      %parallel_loop3A_136 = vector.broadcast %parallel_loop3A_135 : f32 to vector<16xf32>
      %parallel_loop3A_137 = arith.mulf %parallel_loop3A_130, %parallel_loop3A_136 : vector<16xf32>
      %parallel_loop3A_138 = arith.fptosi %parallel_loop3A_137 : vector<16xf32> to vector<16xi32>
      %parallel_loop3A_139 = arith.sitofp %parallel_loop3A_138 : vector<16xi32> to vector<16xf32>
      %parallel_loop3A_140 = arith.subf %parallel_loop3A_137, %parallel_loop3A_139 : vector<16xf32>
      %parallel_loop3A_141 = arith.constant 1.22070313E-4 : f32
      %parallel_loop3A_142 = vector.broadcast %parallel_loop3A_141 : f32 to vector<16xf32>
      %parallel_loop3A_143 = arith.mulf %parallel_loop3A_140, %parallel_loop3A_142 : vector<16xf32>
      %parallel_loop3A_144 = arith.constant 0.999938964 : f32
      %parallel_loop3A_145 = vector.broadcast %parallel_loop3A_144 : f32 to vector<16xf32>
      %parallel_loop3A_146 = arith.addf %parallel_loop3A_143, %parallel_loop3A_145 : vector<16xf32>
      tpu.vector_store_idx %arg10[%iota3A, %parallel_loop3A_138], %parallel_loop3A_146 masked %lt3A_16 {add = true} : memref<16x1024xf32, #tpu.memory_space<vmem>>[vector<16xi32>, vector<16xi32>], vector<16xf32>, vector<16xi1>
      tpu.vector_store_idx %arg11[%iota3A, %parallel_loop3A_138], %parallel_loop3A_134 masked %lt3A_16 {add = true} : memref<16x1024xf32, #tpu.memory_space<vmem>>[vector<16xi32>, vector<16xi32>], vector<16xf32>, vector<16xi1>
    } {sc.loop_unroll_factor = 6 : i64, sc.parallel_access}
    %add3A_62 = arith.constant 83328 : i32
    %add3A_63 = arith.addi %mul3A_2, %add3A_62 : i32
    %dma_start3A_64 = tpu.memref_slice %arg2[%add3A_63] : memref<4000000xf32, #tpu.memory_space<hbm>> -> memref<20832xf32, #tpu.memory_space<hbm>>
    %dma_start3A_65 = tpu.memref_slice %arg2[%add3A_63] : memref<4000000xf32, #tpu.memory_space<hbm>> -> memref<20832xf32, #tpu.memory_space<hbm>>
    tpu.enqueue_dma source(%dma_start3A_65 : memref<20832xf32, #tpu.memory_space<hbm>>) target(%arg6 : memref<20832xf32, #tpu.memory_space<vmem>>) target_semaphore(%arg14 : memref<!tpu.dma_semaphore, #tpu.memory_space<semaphore_mem>>)
    %dma_start3A_66 = tpu.memref_slice %arg3[%add3A_63] : memref<4000000xf32, #tpu.memory_space<hbm>> -> memref<20832xf32, #tpu.memory_space<hbm>>
    %dma_start3A_67 = tpu.memref_slice %arg3[%add3A_63] : memref<4000000xf32, #tpu.memory_space<hbm>> -> memref<20832xf32, #tpu.memory_space<hbm>>
    tpu.enqueue_dma source(%dma_start3A_67 : memref<20832xf32, #tpu.memory_space<hbm>>) target(%arg8 : memref<20832xf32, #tpu.memory_space<vmem>>) target_semaphore(%arg16 : memref<!tpu.dma_semaphore, #tpu.memory_space<semaphore_mem>>)
    %add3A_68 = arith.constant 62496 : i32
    %add3A_69 = arith.addi %mul3A_2, %add3A_68 : i32
    %dma_wait3A_70 = tpu.memref_slice %arg2[%add3A_69] : memref<4000000xf32, #tpu.memory_space<hbm>> -> memref<20832xf32, #tpu.memory_space<hbm>>
    %dma_wait3A_71 = tpu.memref_slice %arg2[%add3A_69] : memref<4000000xf32, #tpu.memory_space<hbm>> -> memref<20832xf32, #tpu.memory_space<hbm>>
    tpu.wait_dma2 semaphore(%arg15 : memref<!tpu.dma_semaphore, #tpu.memory_space<semaphore_mem>>) src(%dma_wait3A_71 : memref<20832xf32, #tpu.memory_space<hbm>>) dst(%arg7 : memref<20832xf32, #tpu.memory_space<vmem>>)
    %dma_wait3A_72 = tpu.memref_slice %arg3[%add3A_69] : memref<4000000xf32, #tpu.memory_space<hbm>> -> memref<20832xf32, #tpu.memory_space<hbm>>
    %dma_wait3A_73 = tpu.memref_slice %arg3[%add3A_69] : memref<4000000xf32, #tpu.memory_space<hbm>> -> memref<20832xf32, #tpu.memory_space<hbm>>
    tpu.wait_dma2 semaphore(%arg17 : memref<!tpu.dma_semaphore, #tpu.memory_space<semaphore_mem>>) src(%dma_wait3A_73 : memref<20832xf32, #tpu.memory_space<hbm>>) dst(%arg9 : memref<20832xf32, #tpu.memory_space<vmem>>)
    %parallel_loop3A_74 = arith.constant 0 : i32
    %parallel_loop3A_75 = arith.constant 1302 : i32
    %parallel_loop3A_76 = arith.constant 1 : i32
    scf.for %parallel_loop3A_126 = %parallel_loop3A_74 to %parallel_loop3A_75 step %parallel_loop3A_76  : i32 {
      %parallel_loop3A_127 = arith.constant 16 : i32
      %parallel_loop3A_128 = arith.muli %parallel_loop3A_126, %parallel_loop3A_127 : i32
      %parallel_loop3A_129 = arith.index_cast %parallel_loop3A_128 : i32 to index
      %parallel_loop3A_130 = tpu.vector_load %arg7[%parallel_loop3A_129] {strides = array<i32>} : memref<20832xf32, #tpu.memory_space<vmem>>, vector<16xf32>,
      %parallel_loop3A_131 = arith.constant 16 : i32
      %parallel_loop3A_132 = arith.muli %parallel_loop3A_126, %parallel_loop3A_131 : i32
      %parallel_loop3A_133 = arith.index_cast %parallel_loop3A_132 : i32 to index
      %parallel_loop3A_134 = tpu.vector_load %arg9[%parallel_loop3A_133] {strides = array<i32>} : memref<20832xf32, #tpu.memory_space<vmem>>, vector<16xf32>,
      %parallel_loop3A_135 = arith.constant 1.024000e+03 : f32
      %parallel_loop3A_136 = vector.broadcast %parallel_loop3A_135 : f32 to vector<16xf32>
      %parallel_loop3A_137 = arith.mulf %parallel_loop3A_130, %parallel_loop3A_136 : vector<16xf32>
      %parallel_loop3A_138 = arith.fptosi %parallel_loop3A_137 : vector<16xf32> to vector<16xi32>
      %parallel_loop3A_139 = arith.sitofp %parallel_loop3A_138 : vector<16xi32> to vector<16xf32>
      %parallel_loop3A_140 = arith.subf %parallel_loop3A_137, %parallel_loop3A_139 : vector<16xf32>
      %parallel_loop3A_141 = arith.constant 1.22070313E-4 : f32
      %parallel_loop3A_142 = vector.broadcast %parallel_loop3A_141 : f32 to vector<16xf32>
      %parallel_loop3A_143 = arith.mulf %parallel_loop3A_140, %parallel_loop3A_142 : vector<16xf32>
      %parallel_loop3A_144 = arith.constant 0.999938964 : f32
      %parallel_loop3A_145 = vector.broadcast %parallel_loop3A_144 : f32 to vector<16xf32>
      %parallel_loop3A_146 = arith.addf %parallel_loop3A_143, %parallel_loop3A_145 : vector<16xf32>
      tpu.vector_store_idx %arg10[%iota3A, %parallel_loop3A_138], %parallel_loop3A_146 masked %lt3A_16 {add = true} : memref<16x1024xf32, #tpu.memory_space<vmem>>[vector<16xi32>, vector<16xi32>], vector<16xf32>, vector<16xi1>
      tpu.vector_store_idx %arg11[%iota3A, %parallel_loop3A_138], %parallel_loop3A_134 masked %lt3A_16 {add = true} : memref<16x1024xf32, #tpu.memory_space<vmem>>[vector<16xi32>, vector<16xi32>], vector<16xf32>, vector<16xi1>
    } {sc.loop_unroll_factor = 6 : i64, sc.parallel_access}
    %add3A_77 = arith.constant 104160 : i32
    %add3A_78 = arith.addi %mul3A_2, %add3A_77 : i32
    %dma_start3A_79 = tpu.memref_slice %arg2[%add3A_78] : memref<4000000xf32, #tpu.memory_space<hbm>> -> memref<20832xf32, #tpu.memory_space<hbm>>
    %dma_start3A_80 = tpu.memref_slice %arg2[%add3A_78] : memref<4000000xf32, #tpu.memory_space<hbm>> -> memref<20832xf32, #tpu.memory_space<hbm>>
    tpu.enqueue_dma source(%dma_start3A_80 : memref<20832xf32, #tpu.memory_space<hbm>>) target(%arg7 : memref<20832xf32, #tpu.memory_space<vmem>>) target_semaphore(%arg15 : memref<!tpu.dma_semaphore, #tpu.memory_space<semaphore_mem>>)
    %dma_start3A_81 = tpu.memref_slice %arg3[%add3A_78] : memref<4000000xf32, #tpu.memory_space<hbm>> -> memref<20832xf32, #tpu.memory_space<hbm>>
    %dma_start3A_82 = tpu.memref_slice %arg3[%add3A_78] : memref<4000000xf32, #tpu.memory_space<hbm>> -> memref<20832xf32, #tpu.memory_space<hbm>>
    tpu.enqueue_dma source(%dma_start3A_82 : memref<20832xf32, #tpu.memory_space<hbm>>) target(%arg9 : memref<20832xf32, #tpu.memory_space<vmem>>) target_semaphore(%arg17 : memref<!tpu.dma_semaphore, #tpu.memory_space<semaphore_mem>>)
    %add3A_83 = arith.constant 83328 : i32
    %add3A_84 = arith.addi %mul3A_2, %add3A_83 : i32
    %dma_wait3A_85 = tpu.memref_slice %arg2[%add3A_84] : memref<4000000xf32, #tpu.memory_space<hbm>> -> memref<20832xf32, #tpu.memory_space<hbm>>
    %dma_wait3A_86 = tpu.memref_slice %arg2[%add3A_84] : memref<4000000xf32, #tpu.memory_space<hbm>> -> memref<20832xf32, #tpu.memory_space<hbm>>
    tpu.wait_dma2 semaphore(%arg14 : memref<!tpu.dma_semaphore, #tpu.memory_space<semaphore_mem>>) src(%dma_wait3A_86 : memref<20832xf32, #tpu.memory_space<hbm>>) dst(%arg6 : memref<20832xf32, #tpu.memory_space<vmem>>)
    %dma_wait3A_87 = tpu.memref_slice %arg3[%add3A_84] : memref<4000000xf32, #tpu.memory_space<hbm>> -> memref<20832xf32, #tpu.memory_space<hbm>>
    %dma_wait3A_88 = tpu.memref_slice %arg3[%add3A_84] : memref<4000000xf32, #tpu.memory_space<hbm>> -> memref<20832xf32, #tpu.memory_space<hbm>>
    tpu.wait_dma2 semaphore(%arg16 : memref<!tpu.dma_semaphore, #tpu.memory_space<semaphore_mem>>) src(%dma_wait3A_88 : memref<20832xf32, #tpu.memory_space<hbm>>) dst(%arg8 : memref<20832xf32, #tpu.memory_space<vmem>>)
    %parallel_loop3A_89 = arith.constant 0 : i32
    %parallel_loop3A_90 = arith.constant 1302 : i32
    %parallel_loop3A_91 = arith.constant 1 : i32
    scf.for %parallel_loop3A_126 = %parallel_loop3A_89 to %parallel_loop3A_90 step %parallel_loop3A_91  : i32 {
      %parallel_loop3A_127 = arith.constant 16 : i32
      %parallel_loop3A_128 = arith.muli %parallel_loop3A_126, %parallel_loop3A_127 : i32
      %parallel_loop3A_129 = arith.index_cast %parallel_loop3A_128 : i32 to index
      %parallel_loop3A_130 = tpu.vector_load %arg6[%parallel_loop3A_129] {strides = array<i32>} : memref<20832xf32, #tpu.memory_space<vmem>>, vector<16xf32>,
      %parallel_loop3A_131 = arith.constant 16 : i32
      %parallel_loop3A_132 = arith.muli %parallel_loop3A_126, %parallel_loop3A_131 : i32
      %parallel_loop3A_133 = arith.index_cast %parallel_loop3A_132 : i32 to index
      %parallel_loop3A_134 = tpu.vector_load %arg8[%parallel_loop3A_133] {strides = array<i32>} : memref<20832xf32, #tpu.memory_space<vmem>>, vector<16xf32>,
      %parallel_loop3A_135 = arith.constant 1.024000e+03 : f32
      %parallel_loop3A_136 = vector.broadcast %parallel_loop3A_135 : f32 to vector<16xf32>
      %parallel_loop3A_137 = arith.mulf %parallel_loop3A_130, %parallel_loop3A_136 : vector<16xf32>
      %parallel_loop3A_138 = arith.fptosi %parallel_loop3A_137 : vector<16xf32> to vector<16xi32>
      %parallel_loop3A_139 = arith.sitofp %parallel_loop3A_138 : vector<16xi32> to vector<16xf32>
      %parallel_loop3A_140 = arith.subf %parallel_loop3A_137, %parallel_loop3A_139 : vector<16xf32>
      %parallel_loop3A_141 = arith.constant 1.22070313E-4 : f32
      %parallel_loop3A_142 = vector.broadcast %parallel_loop3A_141 : f32 to vector<16xf32>
      %parallel_loop3A_143 = arith.mulf %parallel_loop3A_140, %parallel_loop3A_142 : vector<16xf32>
      %parallel_loop3A_144 = arith.constant 0.999938964 : f32
      %parallel_loop3A_145 = vector.broadcast %parallel_loop3A_144 : f32 to vector<16xf32>
      %parallel_loop3A_146 = arith.addf %parallel_loop3A_143, %parallel_loop3A_145 : vector<16xf32>
      tpu.vector_store_idx %arg10[%iota3A, %parallel_loop3A_138], %parallel_loop3A_146 masked %lt3A_16 {add = true} : memref<16x1024xf32, #tpu.memory_space<vmem>>[vector<16xi32>, vector<16xi32>], vector<16xf32>, vector<16xi1>
      tpu.vector_store_idx %arg11[%iota3A, %parallel_loop3A_138], %parallel_loop3A_134 masked %lt3A_16 {add = true} : memref<16x1024xf32, #tpu.memory_space<vmem>>[vector<16xi32>, vector<16xi32>], vector<16xf32>, vector<16xi1>
    } {sc.loop_unroll_factor = 6 : i64, sc.parallel_access}
    %add3A_92 = arith.constant 104160 : i32
    %add3A_93 = arith.addi %mul3A_2, %add3A_92 : i32
    %dma_wait3A_94 = tpu.memref_slice %arg2[%add3A_93] : memref<4000000xf32, #tpu.memory_space<hbm>> -> memref<20832xf32, #tpu.memory_space<hbm>>
    %dma_wait3A_95 = tpu.memref_slice %arg2[%add3A_93] : memref<4000000xf32, #tpu.memory_space<hbm>> -> memref<20832xf32, #tpu.memory_space<hbm>>
    tpu.wait_dma2 semaphore(%arg15 : memref<!tpu.dma_semaphore, #tpu.memory_space<semaphore_mem>>) src(%dma_wait3A_95 : memref<20832xf32, #tpu.memory_space<hbm>>) dst(%arg7 : memref<20832xf32, #tpu.memory_space<vmem>>)
    %dma_wait3A_96 = tpu.memref_slice %arg3[%add3A_93] : memref<4000000xf32, #tpu.memory_space<hbm>> -> memref<20832xf32, #tpu.memory_space<hbm>>
    %dma_wait3A_97 = tpu.memref_slice %arg3[%add3A_93] : memref<4000000xf32, #tpu.memory_space<hbm>> -> memref<20832xf32, #tpu.memory_space<hbm>>
    tpu.wait_dma2 semaphore(%arg17 : memref<!tpu.dma_semaphore, #tpu.memory_space<semaphore_mem>>) src(%dma_wait3A_97 : memref<20832xf32, #tpu.memory_space<hbm>>) dst(%arg9 : memref<20832xf32, #tpu.memory_space<vmem>>)
    %parallel_loop3A_98 = arith.constant 0 : i32
    %parallel_loop3A_99 = arith.constant 1302 : i32
    %parallel_loop3A_100 = arith.constant 1 : i32
    scf.for %parallel_loop3A_126 = %parallel_loop3A_98 to %parallel_loop3A_99 step %parallel_loop3A_100  : i32 {
      %parallel_loop3A_127 = arith.constant 16 : i32
      %parallel_loop3A_128 = arith.muli %parallel_loop3A_126, %parallel_loop3A_127 : i32
      %parallel_loop3A_129 = arith.index_cast %parallel_loop3A_128 : i32 to index
      %parallel_loop3A_130 = tpu.vector_load %arg7[%parallel_loop3A_129] {strides = array<i32>} : memref<20832xf32, #tpu.memory_space<vmem>>, vector<16xf32>,
      %parallel_loop3A_131 = arith.constant 16 : i32
      %parallel_loop3A_132 = arith.muli %parallel_loop3A_126, %parallel_loop3A_131 : i32
      %parallel_loop3A_133 = arith.index_cast %parallel_loop3A_132 : i32 to index
      %parallel_loop3A_134 = tpu.vector_load %arg9[%parallel_loop3A_133] {strides = array<i32>} : memref<20832xf32, #tpu.memory_space<vmem>>, vector<16xf32>,
      %parallel_loop3A_135 = arith.constant 1.024000e+03 : f32
      %parallel_loop3A_136 = vector.broadcast %parallel_loop3A_135 : f32 to vector<16xf32>
      %parallel_loop3A_137 = arith.mulf %parallel_loop3A_130, %parallel_loop3A_136 : vector<16xf32>
      %parallel_loop3A_138 = arith.fptosi %parallel_loop3A_137 : vector<16xf32> to vector<16xi32>
      %parallel_loop3A_139 = arith.sitofp %parallel_loop3A_138 : vector<16xi32> to vector<16xf32>
      %parallel_loop3A_140 = arith.subf %parallel_loop3A_137, %parallel_loop3A_139 : vector<16xf32>
      %parallel_loop3A_141 = arith.constant 1.22070313E-4 : f32
      %parallel_loop3A_142 = vector.broadcast %parallel_loop3A_141 : f32 to vector<16xf32>
      %parallel_loop3A_143 = arith.mulf %parallel_loop3A_140, %parallel_loop3A_142 : vector<16xf32>
      %parallel_loop3A_144 = arith.constant 0.999938964 : f32
      %parallel_loop3A_145 = vector.broadcast %parallel_loop3A_144 : f32 to vector<16xf32>
      %parallel_loop3A_146 = arith.addf %parallel_loop3A_143, %parallel_loop3A_145 : vector<16xf32>
      tpu.vector_store_idx %arg10[%iota3A, %parallel_loop3A_138], %parallel_loop3A_146 masked %lt3A_16 {add = true} : memref<16x1024xf32, #tpu.memory_space<vmem>>[vector<16xi32>, vector<16xi32>], vector<16xf32>, vector<16xi1>
      tpu.vector_store_idx %arg11[%iota3A, %parallel_loop3A_138], %parallel_loop3A_134 masked %lt3A_16 {add = true} : memref<16x1024xf32, #tpu.memory_space<vmem>>[vector<16xi32>, vector<16xi32>], vector<16xf32>, vector<16xi1>
    } {sc.loop_unroll_factor = 6 : i64, sc.parallel_access}
    %add3A_101 = arith.constant 125000 : i32
    %add3A_102 = arith.addi %mul3A_2, %add3A_101 : i32
    %sub3A = arith.constant 16 : i32
    %sub3A_103 = arith.subi %add3A_102, %sub3A : i32
    "tpu.region"() ({
      %run_scoped3A = tpu.sem_alloc : memref<!tpu.dma_semaphore, #tpu.memory_space<semaphore_mem>>
      %dma_start3A_126 = tpu.memref_slice %arg2[%sub3A_103] : memref<4000000xf32, #tpu.memory_space<hbm>> -> memref<16xf32, #tpu.memory_space<hbm>>
      %dma_start3A_127 = tpu.memref_slice %arg2[%sub3A_103] : memref<4000000xf32, #tpu.memory_space<hbm>> -> memref<16xf32, #tpu.memory_space<hbm>>
      tpu.enqueue_dma source(%dma_start3A_127 : memref<16xf32, #tpu.memory_space<hbm>>) target(%arg12 : memref<16xf32, #tpu.memory_space<vmem>>) target_semaphore(%run_scoped3A : memref<!tpu.dma_semaphore, #tpu.memory_space<semaphore_mem>>)
      %dma_wait3A_128 = tpu.memref_slice %arg2[%sub3A_103] : memref<4000000xf32, #tpu.memory_space<hbm>> -> memref<16xf32, #tpu.memory_space<hbm>>
      %dma_wait3A_129 = tpu.memref_slice %arg2[%sub3A_103] : memref<4000000xf32, #tpu.memory_space<hbm>> -> memref<16xf32, #tpu.memory_space<hbm>>
      tpu.wait_dma2 semaphore(%run_scoped3A : memref<!tpu.dma_semaphore, #tpu.memory_space<semaphore_mem>>) src(%dma_wait3A_129 : memref<16xf32, #tpu.memory_space<hbm>>) dst(%arg12 : memref<16xf32, #tpu.memory_space<vmem>>)
      tpu.yield
    }) : () -> ()
    "tpu.region"() ({
      %run_scoped3A = tpu.sem_alloc : memref<!tpu.dma_semaphore, #tpu.memory_space<semaphore_mem>>
      %dma_start3A_126 = tpu.memref_slice %arg3[%sub3A_103] : memref<4000000xf32, #tpu.memory_space<hbm>> -> memref<16xf32, #tpu.memory_space<hbm>>
      %dma_start3A_127 = tpu.memref_slice %arg3[%sub3A_103] : memref<4000000xf32, #tpu.memory_space<hbm>> -> memref<16xf32, #tpu.memory_space<hbm>>
      tpu.enqueue_dma source(%dma_start3A_127 : memref<16xf32, #tpu.memory_space<hbm>>) target(%arg13 : memref<16xf32, #tpu.memory_space<vmem>>) target_semaphore(%run_scoped3A : memref<!tpu.dma_semaphore, #tpu.memory_space<semaphore_mem>>)
      %dma_wait3A_128 = tpu.memref_slice %arg3[%sub3A_103] : memref<4000000xf32, #tpu.memory_space<hbm>> -> memref<16xf32, #tpu.memory_space<hbm>>
      %dma_wait3A_129 = tpu.memref_slice %arg3[%sub3A_103] : memref<4000000xf32, #tpu.memory_space<hbm>> -> memref<16xf32, #tpu.memory_space<hbm>>
      tpu.wait_dma2 semaphore(%run_scoped3A : memref<!tpu.dma_semaphore, #tpu.memory_space<semaphore_mem>>) src(%dma_wait3A_129 : memref<16xf32, #tpu.memory_space<hbm>>) dst(%arg13 : memref<16xf32, #tpu.memory_space<vmem>>)
      tpu.yield
    }) : () -> ()
    %get3A = arith.constant 0 : index
    %get3A_104 = tpu.vector_load %arg12[%get3A] {strides = array<i32>} : memref<16xf32, #tpu.memory_space<vmem>>, vector<16xf32>,
    %get3A_105 = arith.constant 0 : index
    %get3A_106 = tpu.vector_load %arg13[%get3A_105] {strides = array<i32>} : memref<16xf32, #tpu.memory_space<vmem>>, vector<16xf32>,
    %mul3A_107 = arith.constant 1.024000e+03 : f32
    %mul3A_108 = vector.broadcast %mul3A_107 : f32 to vector<16xf32>
    %mul3A_109 = arith.mulf %get3A_104, %mul3A_108 : vector<16xf32>
    %convert_element_type3A = arith.fptosi %mul3A_109 : vector<16xf32> to vector<16xi32>
    %max3A = arith.constant 0 : i32
    %max3A_110 = vector.broadcast %max3A : i32 to vector<16xi32>
    %max3A_111 = arith.maxsi %convert_element_type3A, %max3A_110 : vector<16xi32>
    %min3A = arith.constant 1023 : i32
    %min3A_112 = vector.broadcast %min3A : i32 to vector<16xi32>
    %min3A_113 = arith.minsi %max3A_111, %min3A_112 : vector<16xi32>
    %convert_element_type3A_114 = arith.sitofp %min3A_113 : vector<16xi32> to vector<16xf32>
    %sub3A_115 = arith.subf %mul3A_109, %convert_element_type3A_114 : vector<16xf32>
    %mul3A_116 = arith.constant 1.22070313E-4 : f32
    %mul3A_117 = vector.broadcast %mul3A_116 : f32 to vector<16xf32>
    %mul3A_118 = arith.mulf %sub3A_115, %mul3A_117 : vector<16xf32>
    %add3A_119 = arith.constant 0.999938964 : f32
    %add3A_120 = vector.broadcast %add3A_119 : f32 to vector<16xf32>
    %add3A_121 = arith.addf %mul3A_118, %add3A_120 : vector<16xf32>
    tpu.vector_store_idx %arg10[%iota3A, %min3A_113], %add3A_121 masked %ge3A_18 {add = true} : memref<16x1024xf32, #tpu.memory_space<vmem>>[vector<16xi32>, vector<16xi32>], vector<16xf32>, vector<16xi1>
    tpu.vector_store_idx %arg11[%iota3A, %min3A_113], %get3A_106 masked %ge3A_18 {add = true} : memref<16x1024xf32, #tpu.memory_space<vmem>>[vector<16xi32>, vector<16xi32>], vector<16xf32>, vector<16xi1>
    %mul3A_122 = arith.constant 16 : i32
    %mul3A_123 = arith.muli %add3A, %mul3A_122 : i32
    "tpu.region"() ({
      %run_scoped3A = tpu.sem_alloc : memref<!tpu.dma_semaphore, #tpu.memory_space<semaphore_mem>>
      %dma_start3A_126 = arith.constant 0 : i32
      %dma_start3A_127 = tpu.memref_slice %arg4[%mul3A_123, %dma_start3A_126] : memref<512x1024xf32, #tpu.memory_space<hbm>> -> memref<16x1024xf32, #tpu.memory_space<hbm>>
      %dma_start3A_128 = arith.constant 0 : i32
      %dma_start3A_129 = tpu.memref_slice %arg4[%mul3A_123, %dma_start3A_128] : memref<512x1024xf32, #tpu.memory_space<hbm>> -> memref<16x1024xf32, #tpu.memory_space<hbm>>
      tpu.enqueue_dma source(%arg10 : memref<16x1024xf32, #tpu.memory_space<vmem>>) target(%dma_start3A_129 : memref<16x1024xf32, #tpu.memory_space<hbm>>) target_semaphore(%run_scoped3A : memref<!tpu.dma_semaphore, #tpu.memory_space<semaphore_mem>>)
      %dma_wait3A_130 = arith.constant 0 : i32
      %dma_wait3A_131 = tpu.memref_slice %arg4[%mul3A_123, %dma_wait3A_130] : memref<512x1024xf32, #tpu.memory_space<hbm>> -> memref<16x1024xf32, #tpu.memory_space<hbm>>
      %dma_wait3A_132 = arith.constant 0 : i32
      %dma_wait3A_133 = tpu.memref_slice %arg4[%mul3A_123, %dma_wait3A_132] : memref<512x1024xf32, #tpu.memory_space<hbm>> -> memref<16x1024xf32, #tpu.memory_space<hbm>>
      tpu.wait_dma2 semaphore(%run_scoped3A : memref<!tpu.dma_semaphore, #tpu.memory_space<semaphore_mem>>) src(%arg10 : memref<16x1024xf32, #tpu.memory_space<vmem>>) dst(%dma_wait3A_133 : memref<16x1024xf32, #tpu.memory_space<hbm>>)
      tpu.yield
    }) : () -> ()
    %mul3A_124 = arith.constant 16 : i32
    %mul3A_125 = arith.muli %add3A, %mul3A_124 : i32
    "tpu.region"() ({
      %run_scoped3A = tpu.sem_alloc : memref<!tpu.dma_semaphore, #tpu.memory_space<semaphore_mem>>
      %dma_start3A_126 = arith.constant 0 : i32
      %dma_start3A_127 = tpu.memref_slice %arg5[%mul3A_125, %dma_start3A_126] : memref<512x1024xf32, #tpu.memory_space<hbm>> -> memref<16x1024xf32, #tpu.memory_space<hbm>>
      %dma_start3A_128 = arith.constant 0 : i32
      %dma_start3A_129 = tpu.memref_slice %arg5[%mul3A_125, %dma_start3A_128] : memref<512x1024xf32, #tpu.memory_space<hbm>> -> memref<16x1024xf32, #tpu.memory_space<hbm>>
      tpu.enqueue_dma source(%arg11 : memref<16x1024xf32, #tpu.memory_space<vmem>>) target(%dma_start3A_129 : memref<16x1024xf32, #tpu.memory_space<hbm>>) target_semaphore(%run_scoped3A : memref<!tpu.dma_semaphore, #tpu.memory_space<semaphore_mem>>)
      %dma_wait3A_130 = arith.constant 0 : i32
      %dma_wait3A_131 = tpu.memref_slice %arg5[%mul3A_125, %dma_wait3A_130] : memref<512x1024xf32, #tpu.memory_space<hbm>> -> memref<16x1024xf32, #tpu.memory_space<hbm>>
      %dma_wait3A_132 = arith.constant 0 : i32
      %dma_wait3A_133 = tpu.memref_slice %arg5[%mul3A_125, %dma_wait3A_132] : memref<512x1024xf32, #tpu.memory_space<hbm>> -> memref<16x1024xf32, #tpu.memory_space<hbm>>
      tpu.wait_dma2 semaphore(%run_scoped3A : memref<!tpu.dma_semaphore, #tpu.memory_space<semaphore_mem>>) src(%arg11 : memref<16x1024xf32, #tpu.memory_space<vmem>>) dst(%dma_wait3A_133 : memref<16x1024xf32, #tpu.memory_space<hbm>>)
      tpu.yield
    }) : () -> ()
    return
  }
}

module attributes {stable_mosaic.version = 14 : i64} {
  func.func @body(%arg0: memref<512x1024xf32, #tpu.memory_space<vmem>>, %arg1: memref<512x1024xf32, #tpu.memory_space<vmem>>, %arg2: memref<16x1xf32, #tpu.memory_space<vmem>>, %arg3: memref<15x1xf32, #tpu.memory_space<vmem>>, %arg4: memref<1x1xf32, #tpu.memory_space<vmem>>) attributes {dimension_semantics = [], scalar_prefetch = 0 : i64, scratch_operands = 0 : i64, tpu.core_type = #tpu.core_type<tc>} {
    %get3A = arith.constant 0 : index
    %get3A_0 = arith.constant 0 : index
    %get3A_1 = vector.load %arg0[%get3A, %get3A_0] : memref<512x1024xf32, #tpu.memory_space<vmem>>, vector<512x1024xf32>
    %reduce_sum3A = arith.constant dense<0.000000e+00> : vector<1024xf32>
    %reduce_sum3A_2 = vector.multi_reduction <add>, %get3A_1, %reduce_sum3A [0] : vector<512x1024xf32> to vector<1024xf32>
    %broadcast_in_dim3A = vector.shape_cast %reduce_sum3A_2 : vector<1024xf32> to vector<1x1024xf32>
    %get3A_3 = arith.constant 0 : index
    %get3A_4 = arith.constant 0 : index
    %get3A_5 = vector.load %arg1[%get3A_3, %get3A_4] : memref<512x1024xf32, #tpu.memory_space<vmem>>, vector<512x1024xf32>
    %reduce_sum3A_6 = arith.constant dense<0.000000e+00> : vector<1024xf32>
    %reduce_sum3A_7 = vector.multi_reduction <add>, %get3A_5, %reduce_sum3A_6 [0] : vector<512x1024xf32> to vector<1024xf32>
    %broadcast_in_dim3A_8 = vector.shape_cast %reduce_sum3A_7 : vector<1024xf32> to vector<1x1024xf32>
    %add3A = arith.constant 5.000000e-01 : f32
    %add3A_9 = vector.broadcast %add3A : f32 to vector<1x1024xf32>
    %add3A_10 = arith.addf %broadcast_in_dim3A, %add3A_9 : vector<1x1024xf32>
    %floor3A = math.floor %add3A_10 : vector<1x1024xf32>
    %sub3A = arith.subf %broadcast_in_dim3A, %floor3A : vector<1x1024xf32>
    %mul3A = arith.constant 8.192000e+03 : f32
    %mul3A_11 = vector.broadcast %mul3A : f32 to vector<1x1024xf32>
    %mul3A_12 = arith.mulf %sub3A, %mul3A_11 : vector<1x1024xf32>
    %iota3A = tpu.iota {dimensions = array<i32: 1>} : vector<1x1024xi32>
    %convert_element_type3A = arith.sitofp %iota3A : vector<1x1024xi32> to vector<1x1024xf32>
    %add3A_13 = arith.constant 5.000000e-01 : f32
    %add3A_14 = vector.broadcast %add3A_13 : f32 to vector<1x1024xf32>
    %add3A_15 = arith.addf %convert_element_type3A, %add3A_14 : vector<1x1024xf32>
    %mul3A_16 = arith.mulf %add3A_15, %floor3A : vector<1x1024xf32>
    %add3A_17 = arith.addf %mul3A_16, %mul3A_12 : vector<1x1024xf32>
    %mul3A_18 = arith.constant 9.765625E-4 : f32
    %mul3A_19 = vector.broadcast %mul3A_18 : f32 to vector<1x1024xf32>
    %mul3A_20 = arith.mulf %add3A_17, %mul3A_19 : vector<1x1024xf32>
    %iota3A_21 = tpu.iota {dimensions = array<i32: 0>} : vector<1024x1024xi32>
    %iota3A_22 = tpu.iota {dimensions = array<i32: 1>} : vector<1024x1024xi32>
    %lt3A = arith.cmpi slt, %iota3A_21, %iota3A_22 : vector<1024x1024xi32>
    %convert_element_type3A_23 = arith.extui %lt3A : vector<1024x1024xi1> to vector<1024x1024xi32>
    %convert_element_type3A_24 = arith.sitofp %convert_element_type3A_23 : vector<1024x1024xi32> to vector<1024x1024xf32>
    %dot_general3A = arith.constant dense<0.000000e+00> : vector<1x1024xf32>
    %dot_general3A_25 = tpu.matmul %floor3A, %convert_element_type3A_24, %dot_general3A {dimension_numbers = #tpu.dot_dimension_numbers<[1], [0], [0], [1], [0, 0, 1, 1], [], []>, transpose_lhs_hint = false} : vector<1x1024xf32>, vector<1024x1024xf32>, vector<1x1024xf32> -> vector<1x1024xf32>
    %max3A = arith.constant 1.000000e+00 : f32
    %max3A_26 = vector.broadcast %max3A : f32 to vector<1x1024xf32>
    %max3A_27 = arith.maximumf %floor3A, %max3A_26 : vector<1x1024xf32>
    %div3A = arith.divf %mul3A_20, %max3A_27 : vector<1x1024xf32>
    %div3A_28 = arith.divf %broadcast_in_dim3A_8, %max3A_27 : vector<1x1024xf32>
    %get3A_29 = arith.constant 0 : index
    %get3A_30 = arith.constant 0 : index
    %get3A_31 = vector.load %arg2[%get3A_29, %get3A_30] : memref<16x1xf32, #tpu.memory_space<vmem>>, vector<16x1xf32>
    %sub3A_32 = vector.broadcast %get3A_31 : vector<16x1xf32> to vector<16x1024xf32>
    %sub3A_33 = vector.broadcast %dot_general3A_25 : vector<1x1024xf32> to vector<16x1024xf32>
    %sub3A_34 = arith.subf %sub3A_32, %sub3A_33 : vector<16x1024xf32>
    %jit3A = arith.constant 0.000000e+00 : f32
    %max3A_35 = vector.broadcast %jit3A : f32 to vector<16x1024xf32>
    %max3A_36 = arith.maximumf %max3A_35, %sub3A_34 : vector<16x1024xf32>
    %min3A = vector.broadcast %floor3A : vector<1x1024xf32> to vector<16x1024xf32>
    %min3A_37 = arith.minimumf %min3A, %max3A_36 : vector<16x1024xf32>
    %mul3A_38 = vector.broadcast %div3A : vector<1x1024xf32> to vector<16x1024xf32>
    %mul3A_39 = arith.mulf %min3A_37, %mul3A_38 : vector<16x1024xf32>
    %reduce_sum3A_40 = arith.constant dense<0.000000e+00> : vector<16xf32>
    %reduce_sum3A_41 = vector.multi_reduction <add>, %mul3A_39, %reduce_sum3A_40 [1] : vector<16x1024xf32> to vector<16xf32>
    %broadcast_in_dim3A_42 = vector.shape_cast %reduce_sum3A_41 : vector<16xf32> to vector<16x1xf32>
    %mul3A_43 = vector.broadcast %div3A_28 : vector<1x1024xf32> to vector<16x1024xf32>
    %mul3A_44 = arith.mulf %min3A_37, %mul3A_43 : vector<16x1024xf32>
    %reduce_sum3A_45 = arith.constant dense<0.000000e+00> : vector<16xf32>
    %reduce_sum3A_46 = vector.multi_reduction <add>, %mul3A_44, %reduce_sum3A_45 [1] : vector<16x1024xf32> to vector<16xf32>
    %broadcast_in_dim3A_47 = vector.shape_cast %reduce_sum3A_46 : vector<16xf32> to vector<16x1xf32>
    %slice3A = vector.extract_strided_slice %broadcast_in_dim3A_42 {offsets = [1, 0], sizes = [15, 1], strides = [1, 1]} : vector<16x1xf32> to vector<15x1xf32>
    %slice3A_48 = vector.extract_strided_slice %broadcast_in_dim3A_42 {offsets = [0, 0], sizes = [15, 1], strides = [1, 1]} : vector<16x1xf32> to vector<15x1xf32>
    %sub3A_49 = arith.subf %slice3A, %slice3A_48 : vector<15x1xf32>
    %slice3A_50 = vector.extract_strided_slice %broadcast_in_dim3A_47 {offsets = [1, 0], sizes = [15, 1], strides = [1, 1]} : vector<16x1xf32> to vector<15x1xf32>
    %slice3A_51 = vector.extract_strided_slice %broadcast_in_dim3A_47 {offsets = [0, 0], sizes = [15, 1], strides = [1, 1]} : vector<16x1xf32> to vector<15x1xf32>
    %sub3A_52 = arith.subf %slice3A_50, %slice3A_51 : vector<15x1xf32>
    %get3A_53 = arith.constant 0 : index
    %get3A_54 = arith.constant 0 : index
    %get3A_55 = vector.load %arg3[%get3A_53, %get3A_54] : memref<15x1xf32, #tpu.memory_space<vmem>>, vector<15x1xf32>
    %div3A_56 = arith.divf %sub3A_49, %get3A_55 : vector<15x1xf32>
    %div3A_57 = arith.divf %sub3A_52, %get3A_55 : vector<15x1xf32>
    %sub3A_58 = arith.constant 1.000000e+00 : f32
    %sub3A_59 = vector.broadcast %sub3A_58 : f32 to vector<15x1xf32>
    %sub3A_60 = arith.subf %sub3A_59, %div3A_57 : vector<15x1xf32>
    %sub3A_61 = arith.subf %div3A_56, %sub3A_60 : vector<15x1xf32>
    %abs3A = math.absf %sub3A_61 : vector<15x1xf32>
    %reduce_sum3A_62 = vector.shape_cast %abs3A : vector<15x1xf32> to vector<1x15x1xf32>
    %reduce_sum3A_63 = arith.constant dense<0.000000e+00> : vector<1xf32>
    %reduce_sum3A_64 = vector.multi_reduction <add>, %reduce_sum3A_62, %reduce_sum3A_63 [1, 2] : vector<1x15x1xf32> to vector<1xf32>
    %reduce_sum3A_65 = vector.shape_cast %reduce_sum3A_64 : vector<1xf32> to vector<1x1x1xf32>
    %reduce_sum3A_66 = vector.extract %reduce_sum3A_65[0, 0, 0] : f32 from vector<1x1x1xf32>
    %div3A_67 = arith.constant 1.500000e+01 : f32
    %div3A_68 = arith.divf %reduce_sum3A_66, %div3A_67 : f32
    %reshape3A = vector.broadcast %div3A_68 : f32 to vector<1x1xf32>
    %swap3A = arith.constant 0 : index
    %swap3A_69 = arith.constant 0 : index
    %swap3A_70 = vector.load %arg4[%swap3A, %swap3A_69] : memref<1x1xf32, #tpu.memory_space<vmem>>, vector<1x1xf32>
    tpu.vector_store %arg4[%swap3A, %swap3A_69], %reshape3A {strides = array<i32>} : memref<1x1xf32, #tpu.memory_space<vmem>>, vector<1x1xf32>,
    return
  }
}

</mosaic_0001>

<sc_bundles>
// kernel: kernel.4.cloned.1.call-start
scs
__scs_entry_jumppad:
0x0: {  	(pc) =	sbr.rel $0x88, $3  }
0x1: {  	(tag) =	ssettag $0x0;
	lr =	simm.s32 $0x1  }
0x2: {  	[smem:$0x3F9F] =	sst lr;
	_ =	strace $0xD0000000  }
0x3: {  	_ = 	snop  }
0x4: {  	_ = 	snop  }
0x5: {  	_ = 	snop  }
0x6: {  	_ = 	snop  }
0x7: {  	_ = 	snop  }
__scs_overlays_trampoline_lowered:
0x8: {  	[smem:$0x3FAE] =	sst s0  }
0x9: {  	[smem:$0x3FAF] =	sst s1  }
0xa: {  	[smem:$0x3FB0] =	sst s2  }
0xb: {  	[smem:$0x3FB1] =	sst s3  }
0xc: {  	[smem:$0x3FB2] =	sst s4  }
0xd: {  	[smem:$0x3FB3] =	sst s5  }
0xe: {  	[smem:$0x3FB4] =	sst s6  }
0xf: {  	[smem:$0x3FB5] =	sst s7  }
0x10: {  	[smem:$0x3FB6] =	sst s8  }
0x11: {  	[smem:$0x3FB7] =	sst s9;
	s0 =	simm.s32 @!p0 $0x0  }
0x12: {  	s1 =	sld [smem:$0x3F9D];
	s0 =	simm.s32 @p0 $0x1  }
0x13: {  	[smem:$0x3FB8] =	sst s0;
	s0 =	simm.s32 @!p1 $0x0  }
0x14: {  	s2 =	sld [smem:$0x3F9C];
	s0 =	simm.s32 @p1 $0x1  }
0x15: {  	[smem:$0x3FB9] =	sst s0;
	s0 =	simm.s32 @!p2 $0x0  }
0x16: {  	s3 =	sld [smem:$0x3FDB];
	s0 =	simm.s32 @p2 $0x1  }
0x17: {  	s4 =	simm.s32 $0x1BF5;
	[smem:$0x3FBB] =	sst s0  }
0x18: {  	s0 =	sld [smem:$0x3F9E];
	_ =	swait.ge [sflag:s4], $0x0  }
0x19: {  	s7 =	sld [smem:$0x3F9F]  }
0x1a: {  	s8 =	sadd.s32 $0xFFFFE003, lr  }
0x1b: {  	s9 =	sadd.s32 $0xFFFFFEF7, lr;
	s5 =	simm.s32 $0xFFFFFFFF;
	p2 =	slt.u32 s8, $0xFFFFF086  }
0x1c: {  	p1 =	slt.u32 s9, $0xF7A;
	s5 =	simm.s32 @!p2 $0x0  }
0x1d: {  	s5 =	simm.s32 @p1 $0x1;
	p0 =	seq.s32 s7, s2  }
0x1e: {  	s7 =	smul.u32 @!p0 $0xF7A, s2;
	p2 =	seq.s32 @!p0 s5, $0x0  }
0x1f: {  	s9 =	smul.u32 $0xF7A, s1;
	s8 =	simm.s32 @!p0 $0x1BF5;
	p2 =	por !p2, p0  }
0x20: {  	[sflag:s8] =	ssyncset.s32 @!p0 $0xFFFFF086;
	s6 =	sadd.s32 @!p0 s3, s7;
	s7 =	simm.s32 @!p0 $0x108  }
0x21: {  	s3 =	sadd.s32 s3, s9;
	s6 =	sadd.s32 @!p0 $0x88, s6;
	s7 =	simm.s32 @p2 $0x1082  }
0x22: {  	[simem:s7], [sflag:s8] =	dma.local @!p0 [hbm:s6], $0xF7A  }
0x23: {  	s9 =	sor.u32 $0xD0000000, s2;
	s6 =	simm.s32 $0x108;
	_ =	swait.ge @!p0 [sflag:s8], $0x0  }
0x24: {  	s3 =	sadd.s32 $0x88, s3;
	s6 =	simm.s32 @!p1 $0x1082;
	[sflag:s4] =	ssyncset.s32 $0xFFFFF086  }
0x25: {  	[simem:s6], [sflag:s4] =	dma.local [hbm:s3], $0xF7A  }
0x26: {  	[smem:$0x3F9F] =	sst s1;
	(tag) =	ssettag s2;
	_ =	strace s9  }
0x27: {  	s1 =	sld [smem:$0x3FAF]  }
0x28: {  	s2 =	sld [smem:$0x3FB0]  }
0x29: {  	s4 =	sld [smem:$0x3FB2]  }
0x2a: {  	p0 =	seq.s32 s5, $0x0;
	s5 =	sld [smem:$0x3FB3]  }
0x2b: {  	s6 =	sld [smem:$0x3FB4]  }
0x2c: {  	s7 =	sld [smem:$0x3FB5]  }
0x2d: {  	s3 =	simm.s32 $0x108;
	s8 =	sld [smem:$0x3FB6]  }
0x2e: {  	s3 =	simm.s32 @!p0 $0x1082;
	s9 =	sld [smem:$0x3FB7]  }
0x2f: {  	lr =	sadd.s32 s0, s3;
	s0 =	sld [smem:$0x3FAE]  }
0x30: {  	s3 =	sld [smem:$0x3FB1]  }
0x31: {  	[smem:$0x3FBA] =	sst s10  }
0x32: {  	s10 =	sld [smem:$0x3FB8];
	_ =	sdelay $0x3  }
0x33: {  	p0 =	seq.s32 s10, $0x1;
	s10 =	sld [smem:$0x3FBA];
	_ =	sdelay $0x3  }
0x34: {  	[smem:$0x3FBA] =	sst s10  }
0x35: {  	s10 =	sld [smem:$0x3FB9];
	_ =	sdelay $0x3  }
0x36: {  	p1 =	seq.s32 s10, $0x1;
	s10 =	sld [smem:$0x3FBA];
	_ =	sdelay $0x3  }
0x37: {  	[smem:$0x3FBA] =	sst s10  }
0x38: {  	s10 =	sld [smem:$0x3FBB]  }
0x39: {  	_ = 	snop;
	(pc) =	sbr.ind lr, $3  }
0x3a: {  	_ = 	snop  }
0x3b: {  	_ = 	snop  }
0x3c: {  	p2 =	seq.s32 s10, $0x1;
	s10 =	sld [smem:$0x3FBA]  }
0x3d: {  	_ =	shalt  }
0x3e: {  	_ =	shalt  }
0x3f: {  	_ =	shalt  }
0x40: {  	_ =	shalt  }
0x41: {  	_ =	shalt  }
0x42: {  	_ =	shalt  }
0x43: {  	_ =	shalt  }
0x44: {  	_ =	shalt  }
0x45: {  	_ =	shalt  }
0x46: {  	_ =	shalt  }
0x47: {  	_ =	shalt  }
0x48: {  	_ =	shalt  }
0x49: {  	_ =	shalt  }
0x4a: {  	_ =	shalt  }
0x4b: {  	_ =	shalt  }
0x4c: {  	_ =	shalt  }
0x4d: {  	_ =	shalt  }
0x4e: {  	_ =	shalt  }
0x4f: {  	_ =	shalt  }
0x50: {  	_ =	shalt  }
0x51: {  	_ =	shalt  }
0x52: {  	_ =	shalt  }
0x53: {  	_ =	shalt  }
0x54: {  	_ =	shalt  }
0x55: {  	_ =	shalt  }
0x56: {  	_ =	shalt  }
0x57: {  	_ =	shalt  }
0x58: {  	_ =	shalt  }
0x59: {  	_ =	shalt  }
0x5a: {  	_ =	shalt  }
0x5b: {  	_ =	shalt  }
0x5c: {  	_ =	shalt  }
0x5d: {  	_ =	shalt  }
0x5e: {  	_ =	shalt  }
0x5f: {  	_ =	shalt  }
0x60: {  	_ =	shalt  }
0x61: {  	_ =	shalt  }
0x62: {  	_ =	shalt  }
0x63: {  	_ =	shalt  }
0x64: {  	_ =	shalt  }
0x65: {  	_ =	shalt  }
0x66: {  	_ =	shalt  }
0x67: {  	_ =	shalt  }
0x68: {  	_ =	shalt  }
0x69: {  	_ =	shalt  }
0x6a: {  	_ =	shalt  }
0x6b: {  	_ =	shalt  }
0x6c: {  	_ =	shalt  }
0x6d: {  	_ =	shalt  }
0x6e: {  	_ =	shalt  }
0x6f: {  	_ =	shalt  }
0x70: {  	_ =	shalt  }
0x71: {  	_ =	shalt  }
0x72: {  	_ =	shalt  }
0x73: {  	_ =	shalt  }
0x74: {  	_ =	shalt  }
0x75: {  	_ =	shalt  }
0x76: {  	_ =	shalt  }
0x77: {  	_ =	shalt  }
0x78: {  	_ =	shalt  }
0x79: {  	_ =	shalt  }
0x7a: {  	_ =	shalt  }
0x7b: {  	_ =	shalt  }
0x7c: {  	_ =	shalt  }
0x7d: {  	_ =	shalt  }
0x7e: {  	_ =	shalt  }
0x7f: {  	_ =	shalt  }
0x80: {  	_ =	shalt  }
0x81: {  	_ =	shalt  }
0x82: {  	_ =	shalt  }
0x83: {  	_ =	shalt  }
0x84: {  	_ =	shalt  }
0x85: {  	_ =	shalt  }
0x86: {  	_ =	shalt  }
0x87: {  	_ =	shalt  }
.Lfunc_end0:
.L_simem_size_0:
called_computation_lowered:
.L_overlay_start_0:
0x88: {  	s2 =	sld [smem:$0x3FD9]  }
0x89: {  	s3 =	sld [smem:$0x3FFE];
	_ =	sdelay $0x1  }
0x8a: {  	s1 =	srdreg.scid  }
0x8b: {  	s0 =	sand.u32 $0x1, s1  }
0x8c: {  	s17 =	sshll.u32 s0, $0xA;
	s2 =	sadd.s32 s3, s2  }
0x8d: {  	s2 =	sadd.s32 s2, s17  }
0x8e: {  	[smem:$0x3FC6] =	sst s2  }
0x8f: {  	_ = 	snop  }
0x90: {  	s2 =	sld [smem:$0x3FC9]  }
0x91: {  	s18 =	sld [smem:$0x3FC8];
	(tm) =	ssettm $0x1  }
0x92: {  	s4 =	sld [smem:$0x3FFB];
	_ =	sdelay $0x3  }
0x93: {  	_ =	strace s4  }
0x94: {  	s4 =	sld [smem:$0x3FFC];
	_ =	sdelay $0x3  }
0x95: {  	_ =	strace s4  }
0x96: {  	s4 =	sld [smem:$0x3FFD];
	_ =	sdelay $0x3  }
0x97: {  	_ =	strace s4  }
0x98: {  	_ =	strace $0x8FFFFFFF  }
0x99: {  	s19 =	sld [smem:$0x3FDB];
	_ =	sdelay $0x1  }
0x9a: {  	s5 =	simm.s32 $_scs_section_size  }
0x9b: {  	s6 =	simm.s32 $_size__tile_overlayer_lowered;
	s7 =	simm.s32 $_tile_overlayer_lowered  }
0x9c: {  	s22 =	simm.s32 $0x1BFF;
	s21 =	sshll.u32 s7, $0x1;
	s4 =	sadd.s32 s5, s19  }
0x9d: {  	s8 =	simm.s32 $0x0;
	s20 =	sshll.u32 s6, $0x1;
	s6 =	sadd.s32 s21, s4  }
0x9e: {  	[timem:s8], [sflag:s22] =	dma.local [hbm:s6], s20  }
0x9f: {  	_ =	swait.ge [sflag:s22], s20  }
0xa0: {  	s5 =	ssub.s32 $0x0, s20;
	[sflag:s22] =	ssyncset.done $0x0  }
0xa1: {  	[sflag:s22] =	ssyncadd.s32 s5;
	_ =	sdelay $0x1  }
0xa2: {  	s23 =	simm.s32 $0x1B8B  }
0xa3: {  	_ =	swait.ge [sflag:s23], $0x1  }
0xa4: {  	[sflag:s23] =	ssyncset.done $0x0  }
0xa5: {  	s25 =	simm.s32 $0x1B8E;
	s24 =	sld [smem:$0x3FFE];
	[sflag:s23] =	ssyncadd.s32 $0xFFFFFFFF  }
0xa6: {  	s26 =	simm.s32 $execute0_lowered;
	[smem:$0x3FD2] =	sst s25  }
0xa7: {  	s6 =	sshll.u32 s26, $0x1;
	_ =	strace $0x80000046;
	[dreg:$0x1] =	wrdreg $0xFFFFFFFF  }
0xa8: {  	s28 =	simm.s32 $_size_execute0_lowered;
	s4 =	sadd.s32 s4, s6;
	[dreg:$0x0] =	wrdreg $0x0  }
0xa9: {  	s6 =	sshll.u32 s28, $0x1;
	[dreg:$0x2] =	wrdreg s4  }
0xaa: {  	[dreg:$0x3] =	wrdreg s6  }
0xab: {  	[dreg:$0x4] =	wrdreg $0xC0  }
0xac: {  	_ =	task [dreg:s8], $0x5FFFF  }
0xad: {  	[dreg:$0x1] =	wrdreg $0xFFFFFFFF  }
0xae: {  	[dreg:$0x0] =	wrdreg $0x60  }
0xaf: {  	[dreg:$0x2] =	wrdreg s2  }
0xb0: {  	[dreg:$0x3] =	wrdreg s18  }
0xb1: {  	[dreg:$0x4] =	wrdreg s24  }
0xb2: {  	[dreg:$0x5] =	wrdreg $0x9  }
0xb3: {  	_ =	task.clear_ibuf [dreg:s8], $0x6FFFF;
	_ =	strace $0x90000046  }
0xb4: {  	s29 =	simm.s32 $0x9;
	_ =	strace $0x80000048  }
0xb5: {  	_ =	swait.ge [sflag:s29], $0x1  }
0xb6: {  	[sflag:s29] =	ssyncadd.s32 $0xFFFFFFFF  }
0xb7: {  	_ =	strace $0x90000048  }
0xb8: {  	_ =	sfence  }
0xb9: {  	s30 =	sld [smem:$0x0];
	_ =	sdelay $0x2  }
0xba: {  	s31 =	sshll.u32 s1, $0xD;
	s1 =	sshrl.u32 s1, $0x2  }
0xbb: {  	s3 =	sand.u32 $0x4000, s31;
	s1 =	sadd.s32 s1, s30  }
0xbc: {  	s0 =	sor.u32 s3, s0;
	s1 =	sshll.u32 s1, $0x11  }
0xbd: {  	s0 =	sor.u32 s1, s0  }
0xbe: {  	s0 =	sadd.s32 $0x8F2B, s0  }
0xbf: {  	[sflag:s0] =	ssyncadd.remote.s32 $0x1  }
0xc0: {  	_ =	sfence.sel $0xFFFF  }
0xc1: {  	[dreg:$0x0] =	wrdreg $0xFFFFFFFF;
	(pc) =	sbr.abs _section_cstart, $3  }
0xc2: {  	[dreg:$0x1] =	wrdreg $0xFFFFFFFF  }
0xc3: {  	_ =	task.clear_ibuf [dreg:s8], $0x2FFFF;
	_ =	strace $0x9FFFFFFF  }
0xc4: {  	(tm) =	ssettm $0x7FFFFFFF  }
0xc5: {  	_ =	shalt  }
tec
execute0_lowered:
.L_overlay_start_1:
0x0: {  	(tag) =	ssettag $0x1  }
0x1: {  	s0 =	rddreg [dreg:$0x0]  }
0x2: {  	s1 =	rddreg [dreg:$0x1]  }
0x3: {  	s2 =	srdreg.scid;
	s5 =	stileid.u32  }
0x4: {  	s3 =	rddreg [dreg:$0x2];
	s28 =	simm.s32 $0x2;
	s29 =	simm.s32 $0x4  }
0x5: {  	s4 =	sand.u32 $0x1, s2;
	s5 =	sshll.u32 s5, $0x1;
	s2 =	simm.s32 $0x0  }
0x6: {  	v0 =	vimm.s32 $0x2380;
	vm0 =	vcmask $0x300;
	s31 =	simm.s32 $0x5;
	s5 =	sor.u32 s4, s5;
	[smem:$0x7FF] =	sst s2  }
0x7: {  	v0 =	vsel vm0, $0x0, v0;
	vm0 =	vcmask $0x704;
	s4 =	ssub.s32 $0x2, s4;
	s13 =	smul.u32 $0x1E848, s5;
	s5 =	sshll.u32 s5, $0xB  }
0x8: {  	v0 =	vsel vm0, $0x80, v0;
	vm0 =	vcmask $0xB08;
	_ =	strace $0x80000047;
	s6 =	sshrl.u32 s4, $0x1;
	s3 =	sadd.s32 s5, s3  }
0x9: {  	v0 =	vsel vm0, $0x100, v0;
	vm0 =	vcmask $0xF0C;
	s4 =	ssub.s32 s4, s6;
	s14 =	sshrl.u32 s13, $0x3;
	s15 =	sadd.s32 $0x1E838, s13  }
0xa: {  	v0 =	vsel vm0, $0x180, v0;
	vm0 =	vcmask $0x1310;
	s17 =	sadd.s32 $0x1000, s3;
	s18 =	sadd.s32 $0x11000, s3;
	s19 =	smax.u32 s4, $0x1  }
0xb: {  	v0 =	vsel vm0, $0x200, v0;
	vm0 =	vcmask $0x1714;
	s20 =	sadd.s32 s0, s14;
	s21 =	sadd.s32 s1, s14;
	s22 =	sadd.s32 $0xA2C, s14  }
0xc: {  	s8 =	sadd.s32 $0x1458, s14;
	s25 =	sadd.s32 $0x1E84, s14;
	s12 =	sadd.s32 $0x28B0, s14;
	v0 =	vsel vm0, $0x280, v0;
	vm0 =	vcmask $0x1B18  }
0xd: {  	s26 =	sadd.s32 $0x32DC, s14;
	s30 =	sshrl.u32 s15, $0x3;
	[dreg:$0x4] =	wrdreg s20;
	v0 =	vsel vm0, $0x300, v0;
	vm0 =	vcmask $0x1F1C  }
0xe: {  	[dreg:$0x5] =	wrdreg s21;
	s23 =	sadd.s32 s0, s22;
	s5 =	sadd.s32 s1, s22;
	v0 =	vsel vm0, $0x380, v0;
	vm0 =	vcmask $0x2320  }
0xf: {  	s24 =	sadd.s32 s0, s8;
	s8 =	sadd.s32 s1, s8;
	s9 =	sadd.s32 s0, s25;
	v0 =	vsel vm0, $0x2000, v0;
	vm0 =	vcmask $0x2724  }
0x10: {  	s10 =	sadd.s32 s1, s25;
	s11 =	sadd.s32 s0, s12;
	s12 =	sadd.s32 s1, s12;
	v0 =	vsel vm0, $0x2080, v0;
	vm0 =	vcmask $0x2B28  }
0x11: {  	s13 =	sadd.s32 s0, s26;
	s14 =	sadd.s32 s1, s26;
	s15 =	sadd.s32 s0, s30;
	v0 =	vsel vm0, $0x2100, v0;
	vm0 =	vcmask $0x2F2C  }
0x12: {  	s16 =	sadd.s32 s1, s30;
	s20 =	simm.s32 $0xA300;
	s21 =	simm.s32 $0x5180;
	v0 =	vsel vm0, $0x2180, v0;
	vm0 =	vcmask $0x3330  }
0x13: {  	s22 =	simm.s32 $0xF480;
	s25 =	simm.s32 $0x14600;
	[dreg:$0x6] =	wrdreg s23;
	v0 =	vsel vm0, $0x2200, v0;
	vm0 =	vcmask $0x3734  }
0x14: {  	s26 =	simm.s32 $0x18600;
	s0 =	simm.s32 $0x0;
	[dreg:$0x7] =	wrdreg s5;
	v1 =	vsel vm0, $0x2280, v0;
	vm0 =	vcmask $0x3B38  }
0x15: {  	[dreg:$0x8] =	wrdreg s24;
	s23 =	simm.s32 $0x1;
	s24 =	simm.s32 $0x3;
	v0 =	vimm.f32 $0.0e+00;
	v1 =	vsel vm0, $0x2300, v1;
	vm0 =	vcmask $0x3F20  }
.LBB2_1:
0x16: {  	s1 =	rddreg [dreg:$0x4];
	s7 =	sand.u32 $0x70, s2;
	s3 =	sand.u32 $0x1C00, s2  }
0x17: {  	[tilespmem:s2], [sflag:$0x1] =	stream.linear.gather [hbm4b:s1+s2], $0x5160, $0x38;
	[tilespmem:$0x1C700] =	vst v63  }
0x18: {  	s6 =	rddreg [dreg:$0x5];
	s1 =	sor.u32 s7, s3  }
0x19: {  	[tilespmem:s20], [sflag:$0x3] =	stream.linear.gather [hbm4b:s6+s2], $0x5160, $0x38;
	[tilespmem:$0x1C700] =	vst v63  }
0x1a: {  	[tilespmem:s1+$0x14900] =	vst v0  }
0x1b: {  	[tilespmem:s1+$0x18900] =	vst v0  }
0x1c: {  	[tilespmem:s1+$0x18880] =	vst v0  }
0x1d: {  	[tilespmem:s1+$0x14880] =	vst v0  }
0x1e: {  	[tilespmem:s1+$0x18800] =	vst v0  }
0x1f: {  	[tilespmem:s1+$0x18780] =	vst v0  }
0x20: {  	[tilespmem:s1+$0x14800] =	vst v0  }
0x21: {  	[tilespmem:s1+$0x18700] =	vst v0  }
0x22: {  	[tilespmem:s1+$0x14700] =	vst v0  }
0x23: {  	[tilespmem:s1+$0x18680] =	vst v0  }
0x24: {  	[tilespmem:s1+$0x14680] =	vst v0  }
0x25: {  	[tilespmem:s1+$0x18600] =	vst v0  }
0x26: {  	s4 =	sor.u32 s2, s2;
	[tilespmem:s1+$0x14780] =	vst v0  }
0x27: {  	s30 =	sor.u32 $0x380, s4;
	[tilespmem:s1+$0x14600] =	vst v0  }
0x28: {  	[tilespmem:s30+$0x14600] =	vst v0  }
0x29: {  	[tilespmem:s30+$0x18600] =	vst v0  }
0x2a: {  	[tilespmem:s1+$0x1A900] =	vst v0  }
0x2b: {  	[tilespmem:s1+$0x16900] =	vst v0  }
0x2c: {  	[tilespmem:s1+$0x16880] =	vst v0  }
0x2d: {  	[tilespmem:s1+$0x1A880] =	vst v0  }
0x2e: {  	[tilespmem:s1+$0x1A800] =	vst v0  }
0x2f: {  	[tilespmem:s1+$0x16800] =	vst v0  }
0x30: {  	[tilespmem:s1+$0x1A780] =	vst v0  }
0x31: {  	[tilespmem:s1+$0x16700] =	vst v0  }
0x32: {  	[tilespmem:s1+$0x1A680] =	vst v0  }
0x33: {  	[tilespmem:s1+$0x16780] =	vst v0  }
0x34: {  	[tilespmem:s1+$0x16680] =	vst v0  }
0x35: {  	[tilespmem:s1+$0x1A700] =	vst v0  }
0x36: {  	[tilespmem:s1+$0x1A600] =	vst v0  }
0x37: {  	s3 =	simm.s32 $0x10;
	s4 =	sor.u32 $0x2380, s4;
	[tilespmem:s1+$0x16600] =	vst v0;
	s1 =	simm.s32 $0x80  }
.LBB2_2:
0x38: {  	s30 =	sand.u32 $0x70, s3  }
0x39: {  	s6 =	sand.u32 $0x1C00, s1;
	[tilespmem:s4+$0x14600] =	vst v0;
	s7 =	smov.u32 s3;
	s5 =	sadd.s32 $0x10, s3  }
0x3a: {  	p0 =	sne.s32 s3, $0x3F0;
	s30 =	sor.u32 s30, s6;
	[tilespmem:s4+$0x18600] =	vst v0  }
0x3b: {  	[tilespmem:s30+$0x14900] =	vst v0  }
0x3c: {  	[tilespmem:s30+$0x18900] =	vst v0  }
0x3d: {  	[tilespmem:s30+$0x18880] =	vst v0  }
0x3e: {  	[tilespmem:s30+$0x14880] =	vst v0  }
0x3f: {  	[tilespmem:s30+$0x18800] =	vst v0  }
0x40: {  	[tilespmem:s30+$0x18780] =	vst v0  }
0x41: {  	[tilespmem:s30+$0x14800] =	vst v0  }
0x42: {  	[tilespmem:s30+$0x18700] =	vst v0  }
0x43: {  	[tilespmem:s30+$0x14700] =	vst v0  }
0x44: {  	[tilespmem:s30+$0x18680] =	vst v0  }
0x45: {  	[tilespmem:s30+$0x14680] =	vst v0  }
0x46: {  	[tilespmem:s30+$0x18600] =	vst v0  }
0x47: {  	s3 =	sor.u32 s7, s1;
	[tilespmem:s30+$0x14780] =	vst v0  }
0x48: {  	s4 =	sor.u32 $0x380, s3;
	[tilespmem:s30+$0x14600] =	vst v0  }
0x49: {  	[tilespmem:s4+$0x14600] =	vst v0  }
0x4a: {  	[tilespmem:s4+$0x18600] =	vst v0  }
0x4b: {  	[tilespmem:s30+$0x1A900] =	vst v0  }
0x4c: {  	[tilespmem:s30+$0x16900] =	vst v0  }
0x4d: {  	[tilespmem:s30+$0x16880] =	vst v0  }
0x4e: {  	[tilespmem:s30+$0x1A880] =	vst v0  }
0x4f: {  	[tilespmem:s30+$0x1A800] =	vst v0  }
0x50: {  	[tilespmem:s30+$0x16800] =	vst v0  }
0x51: {  	[tilespmem:s30+$0x1A780] =	vst v0  }
0x52: {  	[tilespmem:s30+$0x16700] =	vst v0  }
0x53: {  	[tilespmem:s30+$0x1A680] =	vst v0  }
.Ltmp0:
0x54: {  	[tilespmem:s30+$0x16780] =	vst v0;
	(pc) =	sbr.rel @p0 .LBB2_2-.Ltmp0, $4  }
0x55: {  	[tilespmem:s30+$0x16680] =	vst v0  }
0x56: {  	[tilespmem:s30+$0x1A700] =	vst v0  }
0x57: {  	[tilespmem:s30+$0x1A600] =	vst v0  }
0x58: {  	s1 =	sadd.s32 $0x80, s1;
	s4 =	sor.u32 $0x2380, s3;
	s3 =	smov.u32 s5;
	[tilespmem:s30+$0x16600] =	vst v0  }
0x59: {  	[tilespmem:s4+$0x14600] =	vst v0  }
0x5a: {  	[tilespmem:s4+$0x18600] =	vst v0;
	s1 =	rddreg [dreg:$0x6]  }
0x5b: {  	[tilespmem:s21], [sflag:$0x2] =	stream.linear.gather [hbm4b:s1+s2], $0x5160, $0x38;
	[tilespmem:$0x1C700] =	vst v63  }
0x5c: {  	s5 =	rddreg [dreg:$0x7]  }
0x5d: {  	[tilespmem:s22], [sflag:$0x4] =	stream.linear.gather [hbm4b:s5+s2], $0x5160, $0x38;
	[tilespmem:$0x1C700] =	vst v63  }
0x5e: {  	_ =	swait.ge [sflag:s23], $0x5160  }
0x5f: {  	[sflag:s23] =	ssyncset.done $0x0  }
0x60: {  	[sflag:s23] =	ssyncadd.s32 $0xFFFFAEA0  }
0x61: {  	_ =	swait.ge [sflag:s24], $0x5160  }
0x62: {  	[sflag:s24] =	ssyncset.done $0x0  }
0x63: {  	s6 =	simm.s32 $0x30;
	[sflag:s24] =	ssyncadd.s32 $0xFFFFAEA0  }
0x64: {  	v2 =	vld [tilespmem:s6+$0x20]  }
0x65: {  	v3 =	vld [tilespmem:s6+$0xFFFFFFE0]  }
0x66: {  	v4 =	vld [tilespmem:s6+$0xFFFFFFF0]  }
0x67: {  	v5 =	vld [tilespmem:s6+$0x0]  }
0x68: {  	v6 =	vld [tilespmem:s6+$0xFFFFFFD0]  }
0x69: {  	v7 =	vld [tilespmem:s6+$0x10];
	_ =	sdelay $0x1  }
0x6a: {  	v2 =	vmul.f32 $1.024000000e+03, v2  }
0x6b: {  	v3 =	vmul.f32 $1.024000000e+03, v3;
	v4 =	vmul.f32 $1.024000000e+03, v4  }
0x6c: {  	v5 =	vmul.f32 $1.024000000e+03, v5;
	v6 =	vmul.f32 $1.024000000e+03, v6  }
0x6d: {  	v7 =	vmul.f32 $1.024000000e+03, v7;
	v8 =	vtrunc.f32 v2  }
0x6e: {  	v9 =	vtrunc.f32 v3;
	v12 =	vtrunc.f32 v4  }
0x6f: {  	s3 =	simm.s32 $0x90;
	v13 =	vtrunc.f32 v6;
	v8 =	vcvt.f32.s32 v8  }
0x70: {  	v21 =	vld [tilespmem:s3+$0x20];
	v14 =	vtrunc.f32 v7;
	v9 =	vcvt.f32.s32 v9  }
0x71: {  	v22 =	vld [tilespmem:s3+$0xFFFFFFE0];
	v12 =	vcvt.f32.s32 v12;
	v10 =	vcvt.s32.f32 v8  }
0x72: {  	v23 =	vld [tilespmem:s3+$0xFFFFFFF0];
	v11 =	vshll.u32 v8, $0x3;
	v8 =	vand.u32 $0x7F, v8;
	v16 =	vcvt.s32.f32 v9  }
0x73: {  	v17 =	vshll.u32 v9, $0x3;
	v18 =	vcvt.s32.f32 v12;
	v9 =	vand.u32 $0x7F, v9  }
0x74: {  	v17 =	vand.u32 $0xFFFFFC00, v17;
	v2 =	vsub.f32 v2, v10;
	v10 =	vand.u32 $0xFFFFFC00, v11  }
0x75: {  	v11 =	vtrunc.f32 v5;
	v3 =	vsub.f32 v3, v16;
	v4 =	vsub.f32 v4, v18  }
0x76: {  	v16 =	vshll.u32 v12, $0x3;
	v9 =	vor.u32 v9, v17;
	v17 =	vmul.f32 $1.024000000e+03, v21  }
0x77: {  	v12 =	vand.u32 $0x7F, v12;
	v21 =	vmul.f32 $1.024000000e+03, v22;
	v22 =	vmul.f32 $1.024000000e+03, v23  }
0x78: {  	v8 =	vor.u32 v8, v10;
	v10 =	vcvt.f32.s32 v13;
	v11 =	vcvt.f32.s32 v11  }
0x79: {  	v13 =	vcvt.f32.s32 v14;
	v16 =	vand.u32 $0xFFFFFC00, v16;
	v32 =	vadd.s32 v1, v9  }
0x7a: {  	v2 =	vmul.f32 $1.220703130e-04, v2;
	v8 =	vadd.s32 v1, v8;
	v3 =	vmul.f32 $1.220703130e-04, v3  }
0x7b: {  	v4 =	vmul.f32 $1.220703130e-04, v4;
	v12 =	vor.u32 v12, v16;
	v15 =	vshll.u32 v10, $0x3  }
0x7c: {  	v19 =	vcvt.s32.f32 v11;
	v18 =	vshll.u32 v11, $0x3;
	v20 =	vshll.u32 v13, $0x3  }
0x7d: {  	v11 =	vand.u32 $0x7F, v11;
	v14 =	vadd.f32 $9.999389640e-01, v2;
	v2 =	vcvt.s32.f32 v10  }
0x7e: {  	v24 =	vld [tilespmem:s3+$0x0];
	v9 =	vadd.s32 v1, v12;
	v15 =	vand.u32 $0xFFFFFC00, v15;
	v10 =	vand.u32 $0x7F, v10  }
0x7f: {  	v10 =	vor.u32 v10, v15;
	v15 =	vld [tilespmem:s3+$0x10];
	v2 =	vsub.f32 v6, v2;
	v6 =	vcvt.s32.f32 v13  }
0x80: {  	s7 =	simm.s32 $0xA330;
	v16 =	vld [tilespmem:s3+$0xFFFFFFD0];
	v18 =	vand.u32 $0xFFFFFC00, v18;
	v20 =	vand.u32 $0xFFFFFC00, v20;
	v28 =	vadd.f32 $9.999389640e-01, v3  }
0x81: {  	v31 =	vld [tilespmem:s7+$0xFFFFFFE0];
	v5 =	vsub.f32 v5, v19;
	v10 =	vadd.s32 v1, v10;
	v6 =	vsub.f32 v7, v6  }
0x82: {  	v4 =	vadd.f32 $9.999389640e-01, v4;
	v11 =	vor.u32 v11, v18;
	v2 =	vmul.f32 $1.220703130e-04, v2;
	v7 =	vld [tilespmem:s7+$0x20]  }
0x83: {  	v19 =	vld [tilespmem:s7+$0xFFFFFFD0];
	v13 =	vand.u32 $0x7F, v13;
	v5 =	vmul.f32 $1.220703130e-04, v5;
	v6 =	vmul.f32 $1.220703130e-04, v6  }
0x84: {  	s30 =	simm.s32 $0xA390;
	[tilespmem:v8+s25+$0x0] =	vst.idx.add.f32.msk $0xffff, v14;
	v14 =	vmul.f32 $1.024000000e+03, v24;
	v25 =	vadd.f32 $9.999389640e-01, v2;
	v23 =	vmul.f32 $1.024000000e+03, v15  }
0x85: {  	v27 =	vld [tilespmem:s30+$0x20];
	v15 =	vmul.f32 $1.024000000e+03, v16;
	v2 =	vadd.f32 $9.999389640e-01, v6;
	v6 =	vtrunc.f32 v17  }
0x86: {  	v13 =	vor.u32 v13, v20;
	v24 =	vtrunc.f32 v22;
	[tilespmem:v10+s25+$0x0] =	vst.idx.add.f32.msk $0xffff, v25;
	v18 =	vcvt.f32.s32 v6  }
0x87: {  	v3 =	vadd.f32 $9.999389640e-01, v5;
	v20 =	vtrunc.f32 v15;
	[tilespmem:v8+s26+$0x0] =	vst.idx.add.f32.msk $0xffff, v7;
	v8 =	vtrunc.f32 v21  }
0x88: {  	[tilespmem:v10+s26+$0x0] =	vst.idx.add.f32.msk $0xffff, v19;
	v19 =	vcvt.f32.s32 v20;
	v12 =	vcvt.s32.f32 v18;
	v16 =	vshll.u32 v18, $0x3  }
0x89: {  	[tilespmem:v32+s25+$0x0] =	vst.idx.add.f32.msk $0xffff, v28;
	v20 =	vcvt.f32.s32 v8;
	v18 =	vand.u32 $0x7F, v18;
	v16 =	vand.u32 $0xFFFFFC00, v16  }
0x8a: {  	[tilespmem:v32+s26+$0x0] =	vst.idx.add.f32.msk $0xffff, v31;
	v25 =	vtrunc.f32 v23;
	v12 =	vsub.f32 v17, v12;
	v16 =	vor.u32 v18, v16  }
0x8b: {  	v5 =	vld [tilespmem:s7+$0xFFFFFFF0];
	v33 =	vcvt.s32.f32 v20;
	v17 =	vtrunc.f32 v14;
	v26 =	vadd.s32 v1, v16  }
0x8c: {  	v7 =	vld [tilespmem:s7+$0x0];
	v30 =	vshll.u32 v19, $0x3;
	v18 =	vcvt.f32.s32 v24;
	v29 =	vmul.f32 $1.220703130e-04, v12  }
0x8d: {  	v6 =	vld [tilespmem:s7+$0x10];
	v30 =	vand.u32 $0xFFFFFC00, v30;
	v17 =	vcvt.f32.s32 v17;
	v16 =	vcvt.f32.s32 v25  }
0x8e: {  	v10 =	vld [tilespmem:s30+$0xFFFFFFD0];
	v25 =	vshll.u32 v20, $0x3;
	v24 =	vadd.f32 $9.999389640e-01, v29;
	v29 =	vcvt.s32.f32 v19  }
0x8f: {  	v8 =	vld [tilespmem:s30+$0xFFFFFFE0];
	v21 =	vsub.f32 v21, v33;
	v12 =	vadd.s32 v1, v11;
	v34 =	vcvt.s32.f32 v18  }
0x90: {  	v35 =	vcvt.s32.f32 v17;
	[tilespmem:v26+s25+$0x0] =	vst.idx.add.f32.msk $0xffff, v24;
	v24 =	vsub.f32 v15, v29;
	v29 =	vcvt.s32.f32 v16  }
0x91: {  	v11 =	vadd.s32 v1, v13;
	v13 =	vld [tilespmem:s30+$0xFFFFFFF0];
	v28 =	vshll.u32 v16, $0x3;
	v22 =	vsub.f32 v22, v34  }
0x92: {  	v62 =	vsub.f32 v14, v35;
	[tilespmem:v26+s26+$0x0] =	vst.idx.add.f32.msk $0xffff, v27;
	v26 =	vmul.f32 $1.220703130e-04, v24;
	v63 =	vsub.f32 v23, v29  }
0x93: {  	v14 =	vld [tilespmem:s30+$0x10];
	v27 =	vshll.u32 v18, $0x3;
	v24 =	vmul.f32 $1.220703130e-04, v21;
	v23 =	vmul.f32 $1.220703130e-04, v22  }
0x94: {  	s1 =	simm.s32 $0x6;
	s3 =	simm.s32 $0xF0;
	v15 =	vld [tilespmem:s30+$0x0];
	v21 =	vmul.f32 $1.220703130e-04, v62;
	v29 =	vshll.u32 v17, $0x3;
	v22 =	vmul.f32 $1.220703130e-04, v63  }
.LBB2_4:
0x95: {  	v31 =	vld [tilespmem:s3+$0x20];
	v25 =	vand.u32 $0xFFFFFC00, v25;
	v27 =	vand.u32 $0xFFFFFC00, v27;
	v29 =	vand.u32 $0xFFFFFC00, v29  }
0x96: {  	s1 =	sadd.s32 $0x6, s1;
	v19 =	vand.u32 $0x7F, v19;
	v20 =	vand.u32 $0x7F, v20;
	v28 =	vand.u32 $0xFFFFFC00, v28;
	v32 =	vld [tilespmem:s3+$0xFFFFFFE0]  }
0x97: {  	v18 =	vand.u32 $0x7F, v18;
	v17 =	vand.u32 $0x7F, v17;
	v16 =	vand.u32 $0x7F, v16;
	p0 =	slt.u32 s1, $0x510;
	v33 =	vld [tilespmem:s3+$0xFFFFFFF0]  }
0x98: {  	v26 =	vadd.f32 $9.999389640e-01, v26;
	v19 =	vor.u32 v19, v30;
	v30 =	vadd.f32 $9.999389640e-01, v24;
	v34 =	vld [tilespmem:s3+$0x0]  }
0x99: {  	v23 =	vadd.f32 $9.999389640e-01, v23;
	v20 =	vor.u32 v20, v25;
	v18 =	vor.u32 v18, v27;
	v24 =	vld [tilespmem:s3+$0x10]  }
0x9a: {  	v21 =	vadd.f32 $9.999389640e-01, v21;
	v17 =	vor.u32 v17, v29;
	v25 =	vld [tilespmem:s3+$0xFFFFFFD0];
	v27 =	vmul.f32 $1.024000000e+03, v31  }
0x9b: {  	v22 =	vadd.f32 $9.999389640e-01, v22;
	v16 =	vor.u32 v16, v28;
	v29 =	vmul.f32 $1.024000000e+03, v32;
	[tilespmem:v9+s25+$0x0] =	vst.idx.add.f32.msk $0xffff, v4;
	v4 =	vmovc v23  }
0x9c: {  	v19 =	vadd.s32 v1, v19;
	v23 =	vmul.f32 $1.024000000e+03, v33;
	v28 =	vtrunc.f32 v27;
	[tilespmem:v9+s26+$0x0] =	vst.idx.add.f32.msk $0xffff, v5;
	v5 =	vmovc v13  }
0x9d: {  	v32 =	vadd.s32 v1, v20;
	v31 =	vmul.f32 $1.024000000e+03, v34;
	v13 =	vcvt.f32.s32 v28;
	[tilespmem:v12+s25+$0x0] =	vst.idx.add.f32.msk $0xffff, v3;
	v3 =	vmovc v21  }
0x9e: {  	v9 =	vadd.s32 v1, v18;
	v20 =	vtrunc.f32 v29;
	v21 =	vmul.f32 $1.024000000e+03, v24;
	[tilespmem:v12+s26+$0x0] =	vst.idx.add.f32.msk $0xffff, v7;
	v7 =	vmovc v15  }
0x9f: {  	v15 =	vmul.f32 $1.024000000e+03, v25;
	v12 =	vcvt.s32.f32 v13;
	v18 =	vshll.u32 v13, $0x3;
	[tilespmem:v11+s25+$0x0] =	vst.idx.add.f32.msk $0xffff, v2;
	v2 =	vmovc v22  }
0xa0: {  	v22 =	vtrunc.f32 v23;
	v13 =	vand.u32 $0x7F, v13;
	v18 =	vand.u32 $0xFFFFFC00, v18;
	[tilespmem:v11+s26+$0x0] =	vst.idx.add.f32.msk $0xffff, v6;
	v6 =	vmovc v14  }
0xa1: {  	v11 =	vtrunc.f32 v15;
	v12 =	vsub.f32 v27, v12;
	v13 =	vor.u32 v13, v18;
	[tilespmem:v19+s25+$0x0] =	vst.idx.add.f32.msk $0xffff, v26  }
0xa2: {  	s30 =	sadd.s32 $0x60, s30;
	v14 =	vtrunc.f32 v31;
	v24 =	vtrunc.f32 v21;
	v26 =	vadd.s32 v1, v13;
	[tilespmem:v19+s26+$0x0] =	vst.idx.add.f32.msk $0xffff, v10  }
0xa3: {  	v19 =	vcvt.f32.s32 v11;
	v27 =	vld [tilespmem:s30+$0x20];
	v13 =	vmul.f32 $1.220703130e-04, v12;
	v12 =	vadd.s32 v1, v17  }
0xa4: {  	v20 =	vcvt.f32.s32 v20;
	v18 =	vcvt.f32.s32 v22;
	v11 =	vadd.s32 v1, v16;
	v10 =	vld [tilespmem:s30+$0xFFFFFFD0]  }
0xa5: {  	v16 =	vcvt.f32.s32 v24;
	v17 =	vcvt.f32.s32 v14;
	v33 =	vld [tilespmem:s30+$0xFFFFFFE0];
	v14 =	vadd.f32 $9.999389640e-01, v13  }
0xa6: {  	v24 =	vcvt.s32.f32 v20;
	v22 =	vcvt.s32.f32 v19;
	v28 =	vshll.u32 v19, $0x3;
	v13 =	vld [tilespmem:s30+$0xFFFFFFF0]  }
0xa7: {  	v25 =	vshll.u32 v20, $0x3;
	v34 =	vcvt.s32.f32 v18;
	v35 =	vcvt.s32.f32 v17;
	[tilespmem:v26+s25+$0x0] =	vst.idx.add.f32.msk $0xffff, v14  }
.Ltmp1:
0xa8: {  	v14 =	vsub.f32 v15, v22;
	v22 =	vsub.f32 v29, v24;
	v29 =	vcvt.s32.f32 v16;
	[tilespmem:v26+s26+$0x0] =	vst.idx.add.f32.msk $0xffff, v27;
	(pc) =	sbr.rel @p0 .LBB2_4-.Ltmp1, $4  }
0xa9: {  	v23 =	vsub.f32 v23, v34;
	v31 =	vsub.f32 v31, v35;
	v27 =	vshll.u32 v18, $0x3;
	v15 =	vld [tilespmem:s30+$0x0]  }
0xaa: {  	v26 =	vmul.f32 $1.220703130e-04, v14;
	v24 =	vmul.f32 $1.220703130e-04, v22;
	v22 =	vsub.f32 v21, v29;
	v14 =	vld [tilespmem:s30+$0x10]  }
0xab: {  	v23 =	vmul.f32 $1.220703130e-04, v23;
	v21 =	vmul.f32 $1.220703130e-04, v31;
	v29 =	vshll.u32 v17, $0x3;
	[tilespmem:v32+s25+$0x0] =	vst.idx.add.f32.msk $0xffff, v30  }
0xac: {  	s3 =	sadd.s32 $0x60, s3;
	v30 =	vand.u32 $0xFFFFFC00, v28;
	v22 =	vmul.f32 $1.220703130e-04, v22;
	v28 =	vshll.u32 v16, $0x3;
	[tilespmem:v32+s26+$0x0] =	vst.idx.add.f32.msk $0xffff, v8;
	v8 =	vmovc v33  }
0xad: {  	_ =	sdelay $0x2  }
0xae: {  	v19 =	vand.u32 $0x7F, v19  }
0xaf: {  	[tilespmem:v9+s25+$0x0] =	vst.idx.add.f32.msk $0xffff, v4;
	v4 =	vand.u32 $0xFFFFFC00, v25;
	v20 =	vand.u32 $0x7F, v20;
	v19 =	vor.u32 v19, v30  }
0xb0: {  	[tilespmem:v12+s25+$0x0] =	vst.idx.add.f32.msk $0xffff, v3;
	v4 =	vor.u32 v20, v4;
	v19 =	vadd.s32 v1, v19  }
0xb1: {  	[tilespmem:v11+s25+$0x0] =	vst.idx.add.f32.msk $0xffff, v2;
	v4 =	vadd.s32 v1, v4  }
0xb2: {  	v3 =	vand.u32 $0xFFFFFC00, v27;
	[tilespmem:v9+s26+$0x0] =	vst.idx.add.f32.msk $0xffff, v5;
	v5 =	vand.u32 $0x7F, v18  }
0xb3: {  	v2 =	vand.u32 $0xFFFFFC00, v29;
	[tilespmem:v12+s26+$0x0] =	vst.idx.add.f32.msk $0xffff, v7;
	v7 =	vadd.f32 $9.999389640e-01, v26;
	v3 =	vor.u32 v5, v3  }
0xb4: {  	[tilespmem:v11+s26+$0x0] =	vst.idx.add.f32.msk $0xffff, v6;
	v6 =	vadd.f32 $9.999389640e-01, v24;
	v5 =	vand.u32 $0x7F, v17;
	v3 =	vadd.s32 v1, v3  }
0xb5: {  	v2 =	vor.u32 v5, v2;
	[tilespmem:v19+s25+$0x0] =	vst.idx.add.f32.msk $0xffff, v7  }
0xb6: {  	v5 =	vand.u32 $0xFFFFFC00, v28;
	v2 =	vadd.s32 v1, v2;
	v7 =	vand.u32 $0x7F, v16;
	[tilespmem:v4+s25+$0x0] =	vst.idx.add.f32.msk $0xffff, v6  }
0xb7: {  	v9 =	vadd.f32 $9.999389640e-01, v23;
	[tilespmem:v19+s26+$0x0] =	vst.idx.add.f32.msk $0xffff, v10;
	v5 =	vor.u32 v7, v5  }
0xb8: {  	[tilespmem:v4+s26+$0x0] =	vst.idx.add.f32.msk $0xffff, v8;
	v5 =	vadd.s32 v1, v5  }
0xb9: {  	v4 =	vadd.f32 $9.999389640e-01, v21;
	[tilespmem:v3+s25+$0x0] =	vst.idx.add.f32.msk $0xffff, v9  }
0xba: {  	[tilespmem:v3+s26+$0x0] =	vst.idx.add.f32.msk $0xffff, v13  }
0xbb: {  	v3 =	vadd.f32 $9.999389640e-01, v22;
	[tilespmem:v2+s25+$0x0] =	vst.idx.add.f32.msk $0xffff, v4  }
0xbc: {  	[tilespmem:v2+s26+$0x0] =	vst.idx.add.f32.msk $0xffff, v15  }
0xbd: {  	[tilespmem:v5+s25+$0x0] =	vst.idx.add.f32.msk $0xffff, v3  }
0xbe: {  	[tilespmem:v5+s26+$0x0] =	vst.idx.add.f32.msk $0xffff, v14  }
0xbf: {  	s1 =	rddreg [dreg:$0x8]  }
0xc0: {  	[tilespmem:s2], [sflag:$0x1] =	stream.linear.gather [hbm4b:s1+s2], $0x5160, $0x38;
	[tilespmem:$0x1C700] =	vst v63  }
0xc1: {  	_ = 	snop  }
0xc2: {  	[tilespmem:s20], [sflag:$0x3] =	stream.linear.gather [hbm4b:s8+s2], $0x5160, $0x38;
	[tilespmem:$0x1C700] =	vst v63  }
0xc3: {  	_ =	swait.ge [sflag:s28], $0x5160  }
0xc4: {  	[sflag:s28] =	ssyncset.done $0x0  }
0xc5: {  	[sflag:s28] =	ssyncadd.s32 $0xFFFFAEA0  }
0xc6: {  	_ =	swait.ge [sflag:s29], $0x5160  }
0xc7: {  	[sflag:s29] =	ssyncset.done $0x0  }
0xc8: {  	s6 =	simm.s32 $0x51B0;
	[sflag:s29] =	ssyncadd.s32 $0xFFFFAEA0  }
0xc9: {  	v2 =	vld [tilespmem:s6+$0x20]  }
0xca: {  	v3 =	vld [tilespmem:s6+$0xFFFFFFE0]  }
0xcb: {  	v4 =	vld [tilespmem:s6+$0xFFFFFFF0]  }
0xcc: {  	v5 =	vld [tilespmem:s6+$0x0]  }
0xcd: {  	v6 =	vld [tilespmem:s6+$0xFFFFFFD0]  }
0xce: {  	v7 =	vld [tilespmem:s6+$0x10];
	_ =	sdelay $0x1  }
0xcf: {  	v2 =	vmul.f32 $1.024000000e+03, v2  }
0xd0: {  	v3 =	vmul.f32 $1.024000000e+03, v3;
	v4 =	vmul.f32 $1.024000000e+03, v4  }
0xd1: {  	v5 =	vmul.f32 $1.024000000e+03, v5;
	v6 =	vmul.f32 $1.024000000e+03, v6  }
0xd2: {  	v7 =	vmul.f32 $1.024000000e+03, v7;
	v8 =	vtrunc.f32 v2  }
0xd3: {  	v9 =	vtrunc.f32 v3;
	v12 =	vtrunc.f32 v4  }
0xd4: {  	s3 =	simm.s32 $0x5210;
	v13 =	vtrunc.f32 v6;
	v8 =	vcvt.f32.s32 v8  }
0xd5: {  	v21 =	vld [tilespmem:s3+$0x20];
	v14 =	vtrunc.f32 v7;
	v9 =	vcvt.f32.s32 v9  }
0xd6: {  	v22 =	vld [tilespmem:s3+$0xFFFFFFE0];
	v12 =	vcvt.f32.s32 v12;
	v10 =	vcvt.s32.f32 v8  }
0xd7: {  	v23 =	vld [tilespmem:s3+$0xFFFFFFF0];
	v11 =	vshll.u32 v8, $0x3;
	v8 =	vand.u32 $0x7F, v8;
	v16 =	vcvt.s32.f32 v9  }
0xd8: {  	v17 =	vshll.u32 v9, $0x3;
	v18 =	vcvt.s32.f32 v12;
	v9 =	vand.u32 $0x7F, v9  }
0xd9: {  	v17 =	vand.u32 $0xFFFFFC00, v17;
	v2 =	vsub.f32 v2, v10;
	v10 =	vand.u32 $0xFFFFFC00, v11  }
0xda: {  	v11 =	vtrunc.f32 v5;
	v3 =	vsub.f32 v3, v16;
	v4 =	vsub.f32 v4, v18  }
0xdb: {  	v16 =	vshll.u32 v12, $0x3;
	v9 =	vor.u32 v9, v17;
	v17 =	vmul.f32 $1.024000000e+03, v21  }
0xdc: {  	v12 =	vand.u32 $0x7F, v12;
	v21 =	vmul.f32 $1.024000000e+03, v22;
	v22 =	vmul.f32 $1.024000000e+03, v23  }
0xdd: {  	v8 =	vor.u32 v8, v10;
	v10 =	vcvt.f32.s32 v13;
	v11 =	vcvt.f32.s32 v11  }
0xde: {  	v13 =	vcvt.f32.s32 v14;
	v16 =	vand.u32 $0xFFFFFC00, v16;
	v32 =	vadd.s32 v1, v9  }
0xdf: {  	v2 =	vmul.f32 $1.220703130e-04, v2;
	v8 =	vadd.s32 v1, v8;
	v3 =	vmul.f32 $1.220703130e-04, v3  }
0xe0: {  	v4 =	vmul.f32 $1.220703130e-04, v4;
	v12 =	vor.u32 v12, v16;
	v15 =	vshll.u32 v10, $0x3  }
0xe1: {  	v19 =	vcvt.s32.f32 v11;
	v18 =	vshll.u32 v11, $0x3;
	v20 =	vshll.u32 v13, $0x3  }
0xe2: {  	v11 =	vand.u32 $0x7F, v11;
	v14 =	vadd.f32 $9.999389640e-01, v2;
	v2 =	vcvt.s32.f32 v10  }
0xe3: {  	v24 =	vld [tilespmem:s3+$0x0];
	v9 =	vadd.s32 v1, v12;
	v15 =	vand.u32 $0xFFFFFC00, v15;
	v10 =	vand.u32 $0x7F, v10  }
0xe4: {  	v10 =	vor.u32 v10, v15;
	v15 =	vld [tilespmem:s3+$0x10];
	v2 =	vsub.f32 v6, v2;
	v6 =	vcvt.s32.f32 v13  }
0xe5: {  	s7 =	simm.s32 $0xF4B0;
	v16 =	vld [tilespmem:s3+$0xFFFFFFD0];
	v18 =	vand.u32 $0xFFFFFC00, v18;
	v20 =	vand.u32 $0xFFFFFC00, v20;
	v28 =	vadd.f32 $9.999389640e-01, v3  }
0xe6: {  	v31 =	vld [tilespmem:s7+$0xFFFFFFE0];
	v5 =	vsub.f32 v5, v19;
	v10 =	vadd.s32 v1, v10;
	v6 =	vsub.f32 v7, v6  }
0xe7: {  	v4 =	vadd.f32 $9.999389640e-01, v4;
	v11 =	vor.u32 v11, v18;
	v2 =	vmul.f32 $1.220703130e-04, v2;
	v7 =	vld [tilespmem:s7+$0x20]  }
0xe8: {  	v19 =	vld [tilespmem:s7+$0xFFFFFFD0];
	v13 =	vand.u32 $0x7F, v13;
	v5 =	vmul.f32 $1.220703130e-04, v5;
	v6 =	vmul.f32 $1.220703130e-04, v6  }
0xe9: {  	s30 =	simm.s32 $0xF510;
	[tilespmem:v8+s25+$0x0] =	vst.idx.add.f32.msk $0xffff, v14;
	v14 =	vmul.f32 $1.024000000e+03, v24;
	v25 =	vadd.f32 $9.999389640e-01, v2;
	v23 =	vmul.f32 $1.024000000e+03, v15  }
0xea: {  	v27 =	vld [tilespmem:s30+$0x20];
	v15 =	vmul.f32 $1.024000000e+03, v16;
	v2 =	vadd.f32 $9.999389640e-01, v6;
	v6 =	vtrunc.f32 v17  }
0xeb: {  	v13 =	vor.u32 v13, v20;
	v24 =	vtrunc.f32 v22;
	[tilespmem:v10+s25+$0x0] =	vst.idx.add.f32.msk $0xffff, v25;
	v18 =	vcvt.f32.s32 v6  }
0xec: {  	v3 =	vadd.f32 $9.999389640e-01, v5;
	v20 =	vtrunc.f32 v15;
	[tilespmem:v8+s26+$0x0] =	vst.idx.add.f32.msk $0xffff, v7;
	v8 =	vtrunc.f32 v21  }
0xed: {  	[tilespmem:v10+s26+$0x0] =	vst.idx.add.f32.msk $0xffff, v19;
	v19 =	vcvt.f32.s32 v20;
	v12 =	vcvt.s32.f32 v18;
	v16 =	vshll.u32 v18, $0x3  }
0xee: {  	[tilespmem:v32+s25+$0x0] =	vst.idx.add.f32.msk $0xffff, v28;
	v20 =	vcvt.f32.s32 v8;
	v18 =	vand.u32 $0x7F, v18;
	v16 =	vand.u32 $0xFFFFFC00, v16  }
0xef: {  	[tilespmem:v32+s26+$0x0] =	vst.idx.add.f32.msk $0xffff, v31;
	v25 =	vtrunc.f32 v23;
	v12 =	vsub.f32 v17, v12;
	v16 =	vor.u32 v18, v16  }
0xf0: {  	v5 =	vld [tilespmem:s7+$0xFFFFFFF0];
	v33 =	vcvt.s32.f32 v20;
	v17 =	vtrunc.f32 v14;
	v26 =	vadd.s32 v1, v16  }
0xf1: {  	v7 =	vld [tilespmem:s7+$0x0];
	v30 =	vshll.u32 v19, $0x3;
	v18 =	vcvt.f32.s32 v24;
	v29 =	vmul.f32 $1.220703130e-04, v12  }
0xf2: {  	v6 =	vld [tilespmem:s7+$0x10];
	v30 =	vand.u32 $0xFFFFFC00, v30;
	v17 =	vcvt.f32.s32 v17;
	v16 =	vcvt.f32.s32 v25  }
0xf3: {  	v10 =	vld [tilespmem:s30+$0xFFFFFFD0];
	v25 =	vshll.u32 v20, $0x3;
	v24 =	vadd.f32 $9.999389640e-01, v29;
	v29 =	vcvt.s32.f32 v19  }
0xf4: {  	v8 =	vld [tilespmem:s30+$0xFFFFFFE0];
	v21 =	vsub.f32 v21, v33;
	v12 =	vadd.s32 v1, v11;
	v34 =	vcvt.s32.f32 v18  }
0xf5: {  	v35 =	vcvt.s32.f32 v17;
	[tilespmem:v26+s25+$0x0] =	vst.idx.add.f32.msk $0xffff, v24;
	v24 =	vsub.f32 v15, v29;
	v29 =	vcvt.s32.f32 v16  }
0xf6: {  	v11 =	vadd.s32 v1, v13;
	v13 =	vld [tilespmem:s30+$0xFFFFFFF0];
	v28 =	vshll.u32 v16, $0x3;
	v22 =	vsub.f32 v22, v34  }
0xf7: {  	v62 =	vsub.f32 v14, v35;
	[tilespmem:v26+s26+$0x0] =	vst.idx.add.f32.msk $0xffff, v27;
	v26 =	vmul.f32 $1.220703130e-04, v24;
	v63 =	vsub.f32 v23, v29  }
0xf8: {  	v14 =	vld [tilespmem:s30+$0x10];
	v27 =	vshll.u32 v18, $0x3;
	v24 =	vmul.f32 $1.220703130e-04, v21;
	v23 =	vmul.f32 $1.220703130e-04, v22  }
0xf9: {  	s1 =	simm.s32 $0x6;
	s3 =	simm.s32 $0x5270;
	v15 =	vld [tilespmem:s30+$0x0];
	v21 =	vmul.f32 $1.220703130e-04, v62;
	v29 =	vshll.u32 v17, $0x3;
	v22 =	vmul.f32 $1.220703130e-04, v63  }
.LBB2_6:
0xfa: {  	v31 =	vld [tilespmem:s3+$0x20];
	v25 =	vand.u32 $0xFFFFFC00, v25;
	v27 =	vand.u32 $0xFFFFFC00, v27;
	v29 =	vand.u32 $0xFFFFFC00, v29  }
0xfb: {  	s1 =	sadd.s32 $0x6, s1;
	v19 =	vand.u32 $0x7F, v19;
	v20 =	vand.u32 $0x7F, v20;
	v28 =	vand.u32 $0xFFFFFC00, v28;
	v32 =	vld [tilespmem:s3+$0xFFFFFFE0]  }
0xfc: {  	v18 =	vand.u32 $0x7F, v18;
	v17 =	vand.u32 $0x7F, v17;
	v16 =	vand.u32 $0x7F, v16;
	p0 =	slt.u32 s1, $0x510;
	v33 =	vld [tilespmem:s3+$0xFFFFFFF0]  }
0xfd: {  	v26 =	vadd.f32 $9.999389640e-01, v26;
	v19 =	vor.u32 v19, v30;
	v30 =	vadd.f32 $9.999389640e-01, v24;
	v34 =	vld [tilespmem:s3+$0x0]  }
0xfe: {  	v23 =	vadd.f32 $9.999389640e-01, v23;
	v20 =	vor.u32 v20, v25;
	v18 =	vor.u32 v18, v27;
	v24 =	vld [tilespmem:s3+$0x10]  }
0xff: {  	v21 =	vadd.f32 $9.999389640e-01, v21;
	v17 =	vor.u32 v17, v29;
	v25 =	vld [tilespmem:s3+$0xFFFFFFD0];
	v27 =	vmul.f32 $1.024000000e+03, v31  }
0x100: {  	v22 =	vadd.f32 $9.999389640e-01, v22;
	v16 =	vor.u32 v16, v28;
	v29 =	vmul.f32 $1.024000000e+03, v32;
	[tilespmem:v9+s25+$0x0] =	vst.idx.add.f32.msk $0xffff, v4;
	v4 =	vmovc v23  }
0x101: {  	v19 =	vadd.s32 v1, v19;
	v23 =	vmul.f32 $1.024000000e+03, v33;
	v28 =	vtrunc.f32 v27;
	[tilespmem:v9+s26+$0x0] =	vst.idx.add.f32.msk $0xffff, v5;
	v5 =	vmovc v13  }
0x102: {  	v32 =	vadd.s32 v1, v20;
	v31 =	vmul.f32 $1.024000000e+03, v34;
	v13 =	vcvt.f32.s32 v28;
	[tilespmem:v12+s25+$0x0] =	vst.idx.add.f32.msk $0xffff, v3;
	v3 =	vmovc v21  }
0x103: {  	v9 =	vadd.s32 v1, v18;
	v20 =	vtrunc.f32 v29;
	v21 =	vmul.f32 $1.024000000e+03, v24;
	[tilespmem:v12+s26+$0x0] =	vst.idx.add.f32.msk $0xffff, v7;
	v7 =	vmovc v15  }
0x104: {  	v15 =	vmul.f32 $1.024000000e+03, v25;
	v12 =	vcvt.s32.f32 v13;
	v18 =	vshll.u32 v13, $0x3;
	[tilespmem:v11+s25+$0x0] =	vst.idx.add.f32.msk $0xffff, v2;
	v2 =	vmovc v22  }
0x105: {  	v22 =	vtrunc.f32 v23;
	v13 =	vand.u32 $0x7F, v13;
	v18 =	vand.u32 $0xFFFFFC00, v18;
	[tilespmem:v11+s26+$0x0] =	vst.idx.add.f32.msk $0xffff, v6;
	v6 =	vmovc v14  }
0x106: {  	v11 =	vtrunc.f32 v15;
	v12 =	vsub.f32 v27, v12;
	v13 =	vor.u32 v13, v18;
	[tilespmem:v19+s25+$0x0] =	vst.idx.add.f32.msk $0xffff, v26  }
0x107: {  	s30 =	sadd.s32 $0x60, s30;
	v14 =	vtrunc.f32 v31;
	v24 =	vtrunc.f32 v21;
	v26 =	vadd.s32 v1, v13;
	[tilespmem:v19+s26+$0x0] =	vst.idx.add.f32.msk $0xffff, v10  }
0x108: {  	v19 =	vcvt.f32.s32 v11;
	v27 =	vld [tilespmem:s30+$0x20];
	v13 =	vmul.f32 $1.220703130e-04, v12;
	v12 =	vadd.s32 v1, v17  }
0x109: {  	v20 =	vcvt.f32.s32 v20;
	v18 =	vcvt.f32.s32 v22;
	v11 =	vadd.s32 v1, v16;
	v10 =	vld [tilespmem:s30+$0xFFFFFFD0]  }
0x10a: {  	v16 =	vcvt.f32.s32 v24;
	v17 =	vcvt.f32.s32 v14;
	v33 =	vld [tilespmem:s30+$0xFFFFFFE0];
	v14 =	vadd.f32 $9.999389640e-01, v13  }
0x10b: {  	v24 =	vcvt.s32.f32 v20;
	v22 =	vcvt.s32.f32 v19;
	v28 =	vshll.u32 v19, $0x3;
	v13 =	vld [tilespmem:s30+$0xFFFFFFF0]  }
0x10c: {  	v25 =	vshll.u32 v20, $0x3;
	v34 =	vcvt.s32.f32 v18;
	v35 =	vcvt.s32.f32 v17;
	[tilespmem:v26+s25+$0x0] =	vst.idx.add.f32.msk $0xffff, v14  }
.Ltmp2:
0x10d: {  	v14 =	vsub.f32 v15, v22;
	v22 =	vsub.f32 v29, v24;
	v29 =	vcvt.s32.f32 v16;
	[tilespmem:v26+s26+$0x0] =	vst.idx.add.f32.msk $0xffff, v27;
	(pc) =	sbr.rel @p0 .LBB2_6-.Ltmp2, $4  }
0x10e: {  	v23 =	vsub.f32 v23, v34;
	v31 =	vsub.f32 v31, v35;
	v27 =	vshll.u32 v18, $0x3;
	v15 =	vld [tilespmem:s30+$0x0]  }
0x10f: {  	v26 =	vmul.f32 $1.220703130e-04, v14;
	v24 =	vmul.f32 $1.220703130e-04, v22;
	v22 =	vsub.f32 v21, v29;
	v14 =	vld [tilespmem:s30+$0x10]  }
0x110: {  	v23 =	vmul.f32 $1.220703130e-04, v23;
	v21 =	vmul.f32 $1.220703130e-04, v31;
	v29 =	vshll.u32 v17, $0x3;
	[tilespmem:v32+s25+$0x0] =	vst.idx.add.f32.msk $0xffff, v30  }
0x111: {  	s3 =	sadd.s32 $0x60, s3;
	v30 =	vand.u32 $0xFFFFFC00, v28;
	v22 =	vmul.f32 $1.220703130e-04, v22;
	v28 =	vshll.u32 v16, $0x3;
	[tilespmem:v32+s26+$0x0] =	vst.idx.add.f32.msk $0xffff, v8;
	v8 =	vmovc v33  }
0x112: {  	_ =	sdelay $0x2  }
0x113: {  	v19 =	vand.u32 $0x7F, v19  }
0x114: {  	[tilespmem:v9+s25+$0x0] =	vst.idx.add.f32.msk $0xffff, v4;
	v4 =	vand.u32 $0xFFFFFC00, v25;
	v20 =	vand.u32 $0x7F, v20;
	v19 =	vor.u32 v19, v30  }
0x115: {  	[tilespmem:v12+s25+$0x0] =	vst.idx.add.f32.msk $0xffff, v3;
	v4 =	vor.u32 v20, v4;
	v19 =	vadd.s32 v1, v19  }
0x116: {  	[tilespmem:v11+s25+$0x0] =	vst.idx.add.f32.msk $0xffff, v2;
	v4 =	vadd.s32 v1, v4  }
0x117: {  	v3 =	vand.u32 $0xFFFFFC00, v27;
	[tilespmem:v9+s26+$0x0] =	vst.idx.add.f32.msk $0xffff, v5;
	v5 =	vand.u32 $0x7F, v18  }
0x118: {  	v2 =	vand.u32 $0xFFFFFC00, v29;
	[tilespmem:v12+s26+$0x0] =	vst.idx.add.f32.msk $0xffff, v7;
	v7 =	vadd.f32 $9.999389640e-01, v26;
	v3 =	vor.u32 v5, v3  }
0x119: {  	[tilespmem:v11+s26+$0x0] =	vst.idx.add.f32.msk $0xffff, v6;
	v6 =	vadd.f32 $9.999389640e-01, v24;
	v5 =	vand.u32 $0x7F, v17;
	v3 =	vadd.s32 v1, v3  }
0x11a: {  	v2 =	vor.u32 v5, v2;
	[tilespmem:v19+s25+$0x0] =	vst.idx.add.f32.msk $0xffff, v7  }
0x11b: {  	v5 =	vand.u32 $0xFFFFFC00, v28;
	v2 =	vadd.s32 v1, v2;
	v7 =	vand.u32 $0x7F, v16;
	[tilespmem:v4+s25+$0x0] =	vst.idx.add.f32.msk $0xffff, v6  }
0x11c: {  	v9 =	vadd.f32 $9.999389640e-01, v23;
	[tilespmem:v19+s26+$0x0] =	vst.idx.add.f32.msk $0xffff, v10;
	v5 =	vor.u32 v7, v5  }
0x11d: {  	[tilespmem:v4+s26+$0x0] =	vst.idx.add.f32.msk $0xffff, v8;
	v5 =	vadd.s32 v1, v5  }
0x11e: {  	v4 =	vadd.f32 $9.999389640e-01, v21;
	[tilespmem:v3+s25+$0x0] =	vst.idx.add.f32.msk $0xffff, v9  }
0x11f: {  	[tilespmem:v3+s26+$0x0] =	vst.idx.add.f32.msk $0xffff, v13  }
0x120: {  	v3 =	vadd.f32 $9.999389640e-01, v22;
	[tilespmem:v2+s25+$0x0] =	vst.idx.add.f32.msk $0xffff, v4  }
0x121: {  	[tilespmem:v2+s26+$0x0] =	vst.idx.add.f32.msk $0xffff, v15  }
0x122: {  	[tilespmem:v5+s25+$0x0] =	vst.idx.add.f32.msk $0xffff, v3  }
0x123: {  	[tilespmem:v5+s26+$0x0] =	vst.idx.add.f32.msk $0xffff, v14  }
0x124: {  	[tilespmem:s21], [sflag:$0x2] =	stream.linear.gather [hbm4b:s9+s2], $0x5160, $0x38;
	[tilespmem:$0x1C700] =	vst v63  }
0x125: {  	_ = 	snop  }
0x126: {  	[tilespmem:s22], [sflag:$0x4] =	stream.linear.gather [hbm4b:s10+s2], $0x5160, $0x38;
	[tilespmem:$0x1C700] =	vst v63  }
0x127: {  	_ =	swait.ge [sflag:s23], $0x5160  }
0x128: {  	[sflag:s23] =	ssyncset.done $0x0  }
0x129: {  	[sflag:s23] =	ssyncadd.s32 $0xFFFFAEA0  }
0x12a: {  	_ =	swait.ge [sflag:s24], $0x5160  }
0x12b: {  	[sflag:s24] =	ssyncset.done $0x0  }
0x12c: {  	s1 =	simm.s32 $0x30;
	[sflag:s24] =	ssyncadd.s32 $0xFFFFAEA0  }
0x12d: {  	v2 =	vld [tilespmem:s1+$0x20]  }
0x12e: {  	v3 =	vld [tilespmem:s1+$0xFFFFFFE0]  }
0x12f: {  	v4 =	vld [tilespmem:s1+$0xFFFFFFF0]  }
0x130: {  	v5 =	vld [tilespmem:s1+$0x0]  }
0x131: {  	v6 =	vld [tilespmem:s1+$0xFFFFFFD0]  }
0x132: {  	v7 =	vld [tilespmem:s1+$0x10];
	_ =	sdelay $0x1  }
0x133: {  	v2 =	vmul.f32 $1.024000000e+03, v2  }
0x134: {  	v3 =	vmul.f32 $1.024000000e+03, v3;
	v4 =	vmul.f32 $1.024000000e+03, v4  }
0x135: {  	v5 =	vmul.f32 $1.024000000e+03, v5;
	v6 =	vmul.f32 $1.024000000e+03, v6  }
0x136: {  	v7 =	vmul.f32 $1.024000000e+03, v7;
	v8 =	vtrunc.f32 v2  }
0x137: {  	v9 =	vtrunc.f32 v3;
	v12 =	vtrunc.f32 v4  }
0x138: {  	s3 =	simm.s32 $0x90;
	v13 =	vtrunc.f32 v6;
	v8 =	vcvt.f32.s32 v8  }
0x139: {  	v21 =	vld [tilespmem:s3+$0x20];
	v14 =	vtrunc.f32 v7;
	v9 =	vcvt.f32.s32 v9  }
0x13a: {  	v22 =	vld [tilespmem:s3+$0xFFFFFFE0];
	v12 =	vcvt.f32.s32 v12;
	v10 =	vcvt.s32.f32 v8  }
0x13b: {  	v23 =	vld [tilespmem:s3+$0xFFFFFFF0];
	v11 =	vshll.u32 v8, $0x3;
	v8 =	vand.u32 $0x7F, v8;
	v16 =	vcvt.s32.f32 v9  }
0x13c: {  	v17 =	vshll.u32 v9, $0x3;
	v18 =	vcvt.s32.f32 v12;
	v9 =	vand.u32 $0x7F, v9  }
0x13d: {  	v17 =	vand.u32 $0xFFFFFC00, v17;
	v2 =	vsub.f32 v2, v10;
	v10 =	vand.u32 $0xFFFFFC00, v11  }
0x13e: {  	v11 =	vtrunc.f32 v5;
	v3 =	vsub.f32 v3, v16;
	v4 =	vsub.f32 v4, v18  }
0x13f: {  	v16 =	vshll.u32 v12, $0x3;
	v9 =	vor.u32 v9, v17;
	v17 =	vmul.f32 $1.024000000e+03, v21  }
0x140: {  	v12 =	vand.u32 $0x7F, v12;
	v21 =	vmul.f32 $1.024000000e+03, v22;
	v22 =	vmul.f32 $1.024000000e+03, v23  }
0x141: {  	v8 =	vor.u32 v8, v10;
	v10 =	vcvt.f32.s32 v13;
	v11 =	vcvt.f32.s32 v11  }
0x142: {  	v13 =	vcvt.f32.s32 v14;
	v16 =	vand.u32 $0xFFFFFC00, v16;
	v32 =	vadd.s32 v1, v9  }
0x143: {  	v2 =	vmul.f32 $1.220703130e-04, v2;
	v8 =	vadd.s32 v1, v8;
	v3 =	vmul.f32 $1.220703130e-04, v3  }
0x144: {  	v4 =	vmul.f32 $1.220703130e-04, v4;
	v12 =	vor.u32 v12, v16;
	v15 =	vshll.u32 v10, $0x3  }
0x145: {  	v19 =	vcvt.s32.f32 v11;
	v18 =	vshll.u32 v11, $0x3;
	v20 =	vshll.u32 v13, $0x3  }
0x146: {  	v11 =	vand.u32 $0x7F, v11;
	v14 =	vadd.f32 $9.999389640e-01, v2;
	v2 =	vcvt.s32.f32 v10  }
0x147: {  	v24 =	vld [tilespmem:s3+$0x0];
	v9 =	vadd.s32 v1, v12;
	v15 =	vand.u32 $0xFFFFFC00, v15;
	v10 =	vand.u32 $0x7F, v10  }
0x148: {  	v10 =	vor.u32 v10, v15;
	v15 =	vld [tilespmem:s3+$0x10];
	v2 =	vsub.f32 v6, v2;
	v6 =	vcvt.s32.f32 v13  }
0x149: {  	s7 =	simm.s32 $0xA330;
	v16 =	vld [tilespmem:s3+$0xFFFFFFD0];
	v18 =	vand.u32 $0xFFFFFC00, v18;
	v20 =	vand.u32 $0xFFFFFC00, v20;
	v28 =	vadd.f32 $9.999389640e-01, v3  }
0x14a: {  	v31 =	vld [tilespmem:s7+$0xFFFFFFE0];
	v5 =	vsub.f32 v5, v19;
	v10 =	vadd.s32 v1, v10;
	v6 =	vsub.f32 v7, v6  }
0x14b: {  	v4 =	vadd.f32 $9.999389640e-01, v4;
	v11 =	vor.u32 v11, v18;
	v2 =	vmul.f32 $1.220703130e-04, v2;
	v7 =	vld [tilespmem:s7+$0x20]  }
0x14c: {  	v19 =	vld [tilespmem:s7+$0xFFFFFFD0];
	v13 =	vand.u32 $0x7F, v13;
	v5 =	vmul.f32 $1.220703130e-04, v5;
	v6 =	vmul.f32 $1.220703130e-04, v6  }
0x14d: {  	s30 =	simm.s32 $0xA390;
	[tilespmem:v8+s25+$0x0] =	vst.idx.add.f32.msk $0xffff, v14;
	v14 =	vmul.f32 $1.024000000e+03, v24;
	v25 =	vadd.f32 $9.999389640e-01, v2;
	v23 =	vmul.f32 $1.024000000e+03, v15  }
0x14e: {  	v27 =	vld [tilespmem:s30+$0x20];
	v15 =	vmul.f32 $1.024000000e+03, v16;
	v2 =	vadd.f32 $9.999389640e-01, v6;
	v6 =	vtrunc.f32 v17  }
0x14f: {  	v13 =	vor.u32 v13, v20;
	v24 =	vtrunc.f32 v22;
	[tilespmem:v10+s25+$0x0] =	vst.idx.add.f32.msk $0xffff, v25;
	v18 =	vcvt.f32.s32 v6  }
0x150: {  	v3 =	vadd.f32 $9.999389640e-01, v5;
	v20 =	vtrunc.f32 v15;
	[tilespmem:v8+s26+$0x0] =	vst.idx.add.f32.msk $0xffff, v7;
	v8 =	vtrunc.f32 v21  }
0x151: {  	[tilespmem:v10+s26+$0x0] =	vst.idx.add.f32.msk $0xffff, v19;
	v19 =	vcvt.f32.s32 v20;
	v12 =	vcvt.s32.f32 v18;
	v16 =	vshll.u32 v18, $0x3  }
0x152: {  	[tilespmem:v32+s25+$0x0] =	vst.idx.add.f32.msk $0xffff, v28;
	v20 =	vcvt.f32.s32 v8;
	v18 =	vand.u32 $0x7F, v18;
	v16 =	vand.u32 $0xFFFFFC00, v16  }
0x153: {  	[tilespmem:v32+s26+$0x0] =	vst.idx.add.f32.msk $0xffff, v31;
	v25 =	vtrunc.f32 v23;
	v12 =	vsub.f32 v17, v12;
	v16 =	vor.u32 v18, v16  }
0x154: {  	v5 =	vld [tilespmem:s7+$0xFFFFFFF0];
	v33 =	vcvt.s32.f32 v20;
	v17 =	vtrunc.f32 v14;
	v26 =	vadd.s32 v1, v16  }
0x155: {  	v7 =	vld [tilespmem:s7+$0x0];
	v30 =	vshll.u32 v19, $0x3;
	v18 =	vcvt.f32.s32 v24;
	v29 =	vmul.f32 $1.220703130e-04, v12  }
0x156: {  	v6 =	vld [tilespmem:s7+$0x10];
	v30 =	vand.u32 $0xFFFFFC00, v30;
	v17 =	vcvt.f32.s32 v17;
	v16 =	vcvt.f32.s32 v25  }
0x157: {  	v10 =	vld [tilespmem:s30+$0xFFFFFFD0];
	v25 =	vshll.u32 v20, $0x3;
	v24 =	vadd.f32 $9.999389640e-01, v29;
	v29 =	vcvt.s32.f32 v19  }
0x158: {  	v8 =	vld [tilespmem:s30+$0xFFFFFFE0];
	v21 =	vsub.f32 v21, v33;
	v12 =	vadd.s32 v1, v11;
	v34 =	vcvt.s32.f32 v18  }
0x159: {  	v35 =	vcvt.s32.f32 v17;
	[tilespmem:v26+s25+$0x0] =	vst.idx.add.f32.msk $0xffff, v24;
	v24 =	vsub.f32 v15, v29;
	v29 =	vcvt.s32.f32 v16  }
0x15a: {  	v11 =	vadd.s32 v1, v13;
	v13 =	vld [tilespmem:s30+$0xFFFFFFF0];
	v28 =	vshll.u32 v16, $0x3;
	v22 =	vsub.f32 v22, v34  }
0x15b: {  	v62 =	vsub.f32 v14, v35;
	[tilespmem:v26+s26+$0x0] =	vst.idx.add.f32.msk $0xffff, v27;
	v26 =	vmul.f32 $1.220703130e-04, v24;
	v63 =	vsub.f32 v23, v29  }
0x15c: {  	v14 =	vld [tilespmem:s30+$0x10];
	v27 =	vshll.u32 v18, $0x3;
	v24 =	vmul.f32 $1.220703130e-04, v21;
	v23 =	vmul.f32 $1.220703130e-04, v22  }
0x15d: {  	s1 =	simm.s32 $0x6;
	s3 =	simm.s32 $0xF0;
	v15 =	vld [tilespmem:s30+$0x0];
	v21 =	vmul.f32 $1.220703130e-04, v62;
	v29 =	vshll.u32 v17, $0x3;
	v22 =	vmul.f32 $1.220703130e-04, v63  }
.LBB2_8:
0x15e: {  	v31 =	vld [tilespmem:s3+$0x20];
	v25 =	vand.u32 $0xFFFFFC00, v25;
	v27 =	vand.u32 $0xFFFFFC00, v27;
	v29 =	vand.u32 $0xFFFFFC00, v29  }
0x15f: {  	s1 =	sadd.s32 $0x6, s1;
	v19 =	vand.u32 $0x7F, v19;
	v20 =	vand.u32 $0x7F, v20;
	v28 =	vand.u32 $0xFFFFFC00, v28;
	v32 =	vld [tilespmem:s3+$0xFFFFFFE0]  }
0x160: {  	v18 =	vand.u32 $0x7F, v18;
	v17 =	vand.u32 $0x7F, v17;
	v16 =	vand.u32 $0x7F, v16;
	p0 =	slt.u32 s1, $0x510;
	v33 =	vld [tilespmem:s3+$0xFFFFFFF0]  }
0x161: {  	v26 =	vadd.f32 $9.999389640e-01, v26;
	v19 =	vor.u32 v19, v30;
	v30 =	vadd.f32 $9.999389640e-01, v24;
	v34 =	vld [tilespmem:s3+$0x0]  }
0x162: {  	v23 =	vadd.f32 $9.999389640e-01, v23;
	v20 =	vor.u32 v20, v25;
	v18 =	vor.u32 v18, v27;
	v24 =	vld [tilespmem:s3+$0x10]  }
0x163: {  	v21 =	vadd.f32 $9.999389640e-01, v21;
	v17 =	vor.u32 v17, v29;
	v25 =	vld [tilespmem:s3+$0xFFFFFFD0];
	v27 =	vmul.f32 $1.024000000e+03, v31  }
0x164: {  	v22 =	vadd.f32 $9.999389640e-01, v22;
	v16 =	vor.u32 v16, v28;
	v29 =	vmul.f32 $1.024000000e+03, v32;
	[tilespmem:v9+s25+$0x0] =	vst.idx.add.f32.msk $0xffff, v4;
	v4 =	vmovc v23  }
0x165: {  	v19 =	vadd.s32 v1, v19;
	v23 =	vmul.f32 $1.024000000e+03, v33;
	v28 =	vtrunc.f32 v27;
	[tilespmem:v9+s26+$0x0] =	vst.idx.add.f32.msk $0xffff, v5;
	v5 =	vmovc v13  }
0x166: {  	v32 =	vadd.s32 v1, v20;
	v31 =	vmul.f32 $1.024000000e+03, v34;
	v13 =	vcvt.f32.s32 v28;
	[tilespmem:v12+s25+$0x0] =	vst.idx.add.f32.msk $0xffff, v3;
	v3 =	vmovc v21  }
0x167: {  	v9 =	vadd.s32 v1, v18;
	v20 =	vtrunc.f32 v29;
	v21 =	vmul.f32 $1.024000000e+03, v24;
	[tilespmem:v12+s26+$0x0] =	vst.idx.add.f32.msk $0xffff, v7;
	v7 =	vmovc v15  }
0x168: {  	v15 =	vmul.f32 $1.024000000e+03, v25;
	v12 =	vcvt.s32.f32 v13;
	v18 =	vshll.u32 v13, $0x3;
	[tilespmem:v11+s25+$0x0] =	vst.idx.add.f32.msk $0xffff, v2;
	v2 =	vmovc v22  }
0x169: {  	v22 =	vtrunc.f32 v23;
	v13 =	vand.u32 $0x7F, v13;
	v18 =	vand.u32 $0xFFFFFC00, v18;
	[tilespmem:v11+s26+$0x0] =	vst.idx.add.f32.msk $0xffff, v6;
	v6 =	vmovc v14  }
0x16a: {  	v11 =	vtrunc.f32 v15;
	v12 =	vsub.f32 v27, v12;
	v13 =	vor.u32 v13, v18;
	[tilespmem:v19+s25+$0x0] =	vst.idx.add.f32.msk $0xffff, v26  }
0x16b: {  	s30 =	sadd.s32 $0x60, s30;
	v14 =	vtrunc.f32 v31;
	v24 =	vtrunc.f32 v21;
	v26 =	vadd.s32 v1, v13;
	[tilespmem:v19+s26+$0x0] =	vst.idx.add.f32.msk $0xffff, v10  }
0x16c: {  	v19 =	vcvt.f32.s32 v11;
	v27 =	vld [tilespmem:s30+$0x20];
	v13 =	vmul.f32 $1.220703130e-04, v12;
	v12 =	vadd.s32 v1, v17  }
0x16d: {  	v20 =	vcvt.f32.s32 v20;
	v18 =	vcvt.f32.s32 v22;
	v11 =	vadd.s32 v1, v16;
	v10 =	vld [tilespmem:s30+$0xFFFFFFD0]  }
0x16e: {  	v16 =	vcvt.f32.s32 v24;
	v17 =	vcvt.f32.s32 v14;
	v33 =	vld [tilespmem:s30+$0xFFFFFFE0];
	v14 =	vadd.f32 $9.999389640e-01, v13  }
0x16f: {  	v24 =	vcvt.s32.f32 v20;
	v22 =	vcvt.s32.f32 v19;
	v28 =	vshll.u32 v19, $0x3;
	v13 =	vld [tilespmem:s30+$0xFFFFFFF0]  }
0x170: {  	v25 =	vshll.u32 v20, $0x3;
	v34 =	vcvt.s32.f32 v18;
	v35 =	vcvt.s32.f32 v17;
	[tilespmem:v26+s25+$0x0] =	vst.idx.add.f32.msk $0xffff, v14  }
.Ltmp3:
0x171: {  	v14 =	vsub.f32 v15, v22;
	v22 =	vsub.f32 v29, v24;
	v29 =	vcvt.s32.f32 v16;
	[tilespmem:v26+s26+$0x0] =	vst.idx.add.f32.msk $0xffff, v27;
	(pc) =	sbr.rel @p0 .LBB2_8-.Ltmp3, $4  }
0x172: {  	v23 =	vsub.f32 v23, v34;
	v31 =	vsub.f32 v31, v35;
	v27 =	vshll.u32 v18, $0x3;
	v15 =	vld [tilespmem:s30+$0x0]  }
0x173: {  	v26 =	vmul.f32 $1.220703130e-04, v14;
	v24 =	vmul.f32 $1.220703130e-04, v22;
	v22 =	vsub.f32 v21, v29;
	v14 =	vld [tilespmem:s30+$0x10]  }
0x174: {  	v23 =	vmul.f32 $1.220703130e-04, v23;
	v21 =	vmul.f32 $1.220703130e-04, v31;
	v29 =	vshll.u32 v17, $0x3;
	[tilespmem:v32+s25+$0x0] =	vst.idx.add.f32.msk $0xffff, v30  }
0x175: {  	s3 =	sadd.s32 $0x60, s3;
	v30 =	vand.u32 $0xFFFFFC00, v28;
	v22 =	vmul.f32 $1.220703130e-04, v22;
	v28 =	vshll.u32 v16, $0x3;
	[tilespmem:v32+s26+$0x0] =	vst.idx.add.f32.msk $0xffff, v8;
	v8 =	vmovc v33  }
0x176: {  	_ =	sdelay $0x2  }
0x177: {  	v19 =	vand.u32 $0x7F, v19  }
0x178: {  	[tilespmem:v9+s25+$0x0] =	vst.idx.add.f32.msk $0xffff, v4;
	v4 =	vand.u32 $0xFFFFFC00, v25;
	v20 =	vand.u32 $0x7F, v20;
	v19 =	vor.u32 v19, v30  }
0x179: {  	[tilespmem:v12+s25+$0x0] =	vst.idx.add.f32.msk $0xffff, v3;
	v4 =	vor.u32 v20, v4;
	v19 =	vadd.s32 v1, v19  }
0x17a: {  	[tilespmem:v11+s25+$0x0] =	vst.idx.add.f32.msk $0xffff, v2;
	v4 =	vadd.s32 v1, v4  }
0x17b: {  	v3 =	vand.u32 $0xFFFFFC00, v27;
	[tilespmem:v9+s26+$0x0] =	vst.idx.add.f32.msk $0xffff, v5;
	v5 =	vand.u32 $0x7F, v18  }
0x17c: {  	v2 =	vand.u32 $0xFFFFFC00, v29;
	[tilespmem:v12+s26+$0x0] =	vst.idx.add.f32.msk $0xffff, v7;
	v7 =	vadd.f32 $9.999389640e-01, v26;
	v3 =	vor.u32 v5, v3  }
0x17d: {  	[tilespmem:v11+s26+$0x0] =	vst.idx.add.f32.msk $0xffff, v6;
	v6 =	vadd.f32 $9.999389640e-01, v24;
	v5 =	vand.u32 $0x7F, v17;
	v3 =	vadd.s32 v1, v3  }
0x17e: {  	v2 =	vor.u32 v5, v2;
	[tilespmem:v19+s25+$0x0] =	vst.idx.add.f32.msk $0xffff, v7  }
0x17f: {  	v5 =	vand.u32 $0xFFFFFC00, v28;
	v2 =	vadd.s32 v1, v2;
	v7 =	vand.u32 $0x7F, v16;
	[tilespmem:v4+s25+$0x0] =	vst.idx.add.f32.msk $0xffff, v6  }
0x180: {  	v9 =	vadd.f32 $9.999389640e-01, v23;
	[tilespmem:v19+s26+$0x0] =	vst.idx.add.f32.msk $0xffff, v10;
	v5 =	vor.u32 v7, v5  }
0x181: {  	[tilespmem:v4+s26+$0x0] =	vst.idx.add.f32.msk $0xffff, v8;
	v5 =	vadd.s32 v1, v5  }
0x182: {  	v4 =	vadd.f32 $9.999389640e-01, v21;
	[tilespmem:v3+s25+$0x0] =	vst.idx.add.f32.msk $0xffff, v9  }
0x183: {  	[tilespmem:v3+s26+$0x0] =	vst.idx.add.f32.msk $0xffff, v13  }
0x184: {  	v3 =	vadd.f32 $9.999389640e-01, v22;
	[tilespmem:v2+s25+$0x0] =	vst.idx.add.f32.msk $0xffff, v4  }
0x185: {  	[tilespmem:v2+s26+$0x0] =	vst.idx.add.f32.msk $0xffff, v15  }
0x186: {  	[tilespmem:v5+s25+$0x0] =	vst.idx.add.f32.msk $0xffff, v3  }
0x187: {  	[tilespmem:v5+s26+$0x0] =	vst.idx.add.f32.msk $0xffff, v14  }
0x188: {  	[tilespmem:s2], [sflag:$0x1] =	stream.linear.gather [hbm4b:s11+s2], $0x5160, $0x38;
	[tilespmem:$0x1C700] =	vst v63  }
0x189: {  	_ = 	snop  }
0x18a: {  	[tilespmem:s20], [sflag:$0x3] =	stream.linear.gather [hbm4b:s12+s2], $0x5160, $0x38;
	[tilespmem:$0x1C700] =	vst v63  }
0x18b: {  	_ =	swait.ge [sflag:s28], $0x5160  }
0x18c: {  	[sflag:s28] =	ssyncset.done $0x0  }
0x18d: {  	[sflag:s28] =	ssyncadd.s32 $0xFFFFAEA0  }
0x18e: {  	_ =	swait.ge [sflag:s29], $0x5160  }
0x18f: {  	[sflag:s29] =	ssyncset.done $0x0  }
0x190: {  	s1 =	simm.s32 $0x51B0;
	[sflag:s29] =	ssyncadd.s32 $0xFFFFAEA0  }
0x191: {  	v2 =	vld [tilespmem:s1+$0x20]  }
0x192: {  	v3 =	vld [tilespmem:s1+$0xFFFFFFE0]  }
0x193: {  	v4 =	vld [tilespmem:s1+$0xFFFFFFF0]  }
0x194: {  	v5 =	vld [tilespmem:s1+$0x0]  }
0x195: {  	v6 =	vld [tilespmem:s1+$0xFFFFFFD0]  }
0x196: {  	v7 =	vld [tilespmem:s1+$0x10];
	_ =	sdelay $0x1  }
0x197: {  	v2 =	vmul.f32 $1.024000000e+03, v2  }
0x198: {  	v3 =	vmul.f32 $1.024000000e+03, v3;
	v4 =	vmul.f32 $1.024000000e+03, v4  }
0x199: {  	v5 =	vmul.f32 $1.024000000e+03, v5;
	v6 =	vmul.f32 $1.024000000e+03, v6  }
0x19a: {  	v7 =	vmul.f32 $1.024000000e+03, v7;
	v8 =	vtrunc.f32 v2  }
0x19b: {  	v9 =	vtrunc.f32 v3;
	v12 =	vtrunc.f32 v4  }
0x19c: {  	s3 =	simm.s32 $0x5210;
	v13 =	vtrunc.f32 v6;
	v8 =	vcvt.f32.s32 v8  }
0x19d: {  	v21 =	vld [tilespmem:s3+$0x20];
	v14 =	vtrunc.f32 v7;
	v9 =	vcvt.f32.s32 v9  }
0x19e: {  	v22 =	vld [tilespmem:s3+$0xFFFFFFE0];
	v12 =	vcvt.f32.s32 v12;
	v10 =	vcvt.s32.f32 v8  }
0x19f: {  	v23 =	vld [tilespmem:s3+$0xFFFFFFF0];
	v11 =	vshll.u32 v8, $0x3;
	v8 =	vand.u32 $0x7F, v8;
	v16 =	vcvt.s32.f32 v9  }
0x1a0: {  	v17 =	vshll.u32 v9, $0x3;
	v18 =	vcvt.s32.f32 v12;
	v9 =	vand.u32 $0x7F, v9  }
0x1a1: {  	v17 =	vand.u32 $0xFFFFFC00, v17;
	v2 =	vsub.f32 v2, v10;
	v10 =	vand.u32 $0xFFFFFC00, v11  }
0x1a2: {  	v11 =	vtrunc.f32 v5;
	v3 =	vsub.f32 v3, v16;
	v4 =	vsub.f32 v4, v18  }
0x1a3: {  	v16 =	vshll.u32 v12, $0x3;
	v9 =	vor.u32 v9, v17;
	v17 =	vmul.f32 $1.024000000e+03, v21  }
0x1a4: {  	v12 =	vand.u32 $0x7F, v12;
	v21 =	vmul.f32 $1.024000000e+03, v22;
	v22 =	vmul.f32 $1.024000000e+03, v23  }
0x1a5: {  	v8 =	vor.u32 v8, v10;
	v10 =	vcvt.f32.s32 v13;
	v11 =	vcvt.f32.s32 v11  }
0x1a6: {  	v13 =	vcvt.f32.s32 v14;
	v16 =	vand.u32 $0xFFFFFC00, v16;
	v32 =	vadd.s32 v1, v9  }
0x1a7: {  	v2 =	vmul.f32 $1.220703130e-04, v2;
	v8 =	vadd.s32 v1, v8;
	v3 =	vmul.f32 $1.220703130e-04, v3  }
0x1a8: {  	v4 =	vmul.f32 $1.220703130e-04, v4;
	v12 =	vor.u32 v12, v16;
	v15 =	vshll.u32 v10, $0x3  }
0x1a9: {  	v19 =	vcvt.s32.f32 v11;
	v18 =	vshll.u32 v11, $0x3;
	v20 =	vshll.u32 v13, $0x3  }
0x1aa: {  	v11 =	vand.u32 $0x7F, v11;
	v14 =	vadd.f32 $9.999389640e-01, v2;
	v2 =	vcvt.s32.f32 v10  }
0x1ab: {  	v24 =	vld [tilespmem:s3+$0x0];
	v9 =	vadd.s32 v1, v12;
	v15 =	vand.u32 $0xFFFFFC00, v15;
	v10 =	vand.u32 $0x7F, v10  }
0x1ac: {  	v10 =	vor.u32 v10, v15;
	v15 =	vld [tilespmem:s3+$0x10];
	v2 =	vsub.f32 v6, v2;
	v6 =	vcvt.s32.f32 v13  }
0x1ad: {  	s7 =	simm.s32 $0xF4B0;
	v16 =	vld [tilespmem:s3+$0xFFFFFFD0];
	v18 =	vand.u32 $0xFFFFFC00, v18;
	v20 =	vand.u32 $0xFFFFFC00, v20;
	v28 =	vadd.f32 $9.999389640e-01, v3  }
0x1ae: {  	v31 =	vld [tilespmem:s7+$0xFFFFFFE0];
	v5 =	vsub.f32 v5, v19;
	v10 =	vadd.s32 v1, v10;
	v6 =	vsub.f32 v7, v6  }
0x1af: {  	v4 =	vadd.f32 $9.999389640e-01, v4;
	v11 =	vor.u32 v11, v18;
	v2 =	vmul.f32 $1.220703130e-04, v2;
	v7 =	vld [tilespmem:s7+$0x20]  }
0x1b0: {  	v19 =	vld [tilespmem:s7+$0xFFFFFFD0];
	v13 =	vand.u32 $0x7F, v13;
	v5 =	vmul.f32 $1.220703130e-04, v5;
	v6 =	vmul.f32 $1.220703130e-04, v6  }
0x1b1: {  	s30 =	simm.s32 $0xF510;
	[tilespmem:v8+s25+$0x0] =	vst.idx.add.f32.msk $0xffff, v14;
	v14 =	vmul.f32 $1.024000000e+03, v24;
	v25 =	vadd.f32 $9.999389640e-01, v2;
	v23 =	vmul.f32 $1.024000000e+03, v15  }
0x1b2: {  	v27 =	vld [tilespmem:s30+$0x20];
	v15 =	vmul.f32 $1.024000000e+03, v16;
	v2 =	vadd.f32 $9.999389640e-01, v6;
	v6 =	vtrunc.f32 v17  }
0x1b3: {  	v13 =	vor.u32 v13, v20;
	v24 =	vtrunc.f32 v22;
	[tilespmem:v10+s25+$0x0] =	vst.idx.add.f32.msk $0xffff, v25;
	v18 =	vcvt.f32.s32 v6  }
0x1b4: {  	v3 =	vadd.f32 $9.999389640e-01, v5;
	v20 =	vtrunc.f32 v15;
	[tilespmem:v8+s26+$0x0] =	vst.idx.add.f32.msk $0xffff, v7;
	v8 =	vtrunc.f32 v21  }
0x1b5: {  	[tilespmem:v10+s26+$0x0] =	vst.idx.add.f32.msk $0xffff, v19;
	v19 =	vcvt.f32.s32 v20;
	v12 =	vcvt.s32.f32 v18;
	v16 =	vshll.u32 v18, $0x3  }
0x1b6: {  	[tilespmem:v32+s25+$0x0] =	vst.idx.add.f32.msk $0xffff, v28;
	v20 =	vcvt.f32.s32 v8;
	v18 =	vand.u32 $0x7F, v18;
	v16 =	vand.u32 $0xFFFFFC00, v16  }
0x1b7: {  	[tilespmem:v32+s26+$0x0] =	vst.idx.add.f32.msk $0xffff, v31;
	v25 =	vtrunc.f32 v23;
	v12 =	vsub.f32 v17, v12;
	v16 =	vor.u32 v18, v16  }
0x1b8: {  	v5 =	vld [tilespmem:s7+$0xFFFFFFF0];
	v33 =	vcvt.s32.f32 v20;
	v17 =	vtrunc.f32 v14;
	v26 =	vadd.s32 v1, v16  }
0x1b9: {  	v7 =	vld [tilespmem:s7+$0x0];
	v30 =	vshll.u32 v19, $0x3;
	v18 =	vcvt.f32.s32 v24;
	v29 =	vmul.f32 $1.220703130e-04, v12  }
0x1ba: {  	v6 =	vld [tilespmem:s7+$0x10];
	v30 =	vand.u32 $0xFFFFFC00, v30;
	v17 =	vcvt.f32.s32 v17;
	v16 =	vcvt.f32.s32 v25  }
0x1bb: {  	v10 =	vld [tilespmem:s30+$0xFFFFFFD0];
	v25 =	vshll.u32 v20, $0x3;
	v24 =	vadd.f32 $9.999389640e-01, v29;
	v29 =	vcvt.s32.f32 v19  }
0x1bc: {  	v8 =	vld [tilespmem:s30+$0xFFFFFFE0];
	v21 =	vsub.f32 v21, v33;
	v12 =	vadd.s32 v1, v11;
	v34 =	vcvt.s32.f32 v18  }
0x1bd: {  	v35 =	vcvt.s32.f32 v17;
	[tilespmem:v26+s25+$0x0] =	vst.idx.add.f32.msk $0xffff, v24;
	v24 =	vsub.f32 v15, v29;
	v29 =	vcvt.s32.f32 v16  }
0x1be: {  	v11 =	vadd.s32 v1, v13;
	v13 =	vld [tilespmem:s30+$0xFFFFFFF0];
	v28 =	vshll.u32 v16, $0x3;
	v22 =	vsub.f32 v22, v34  }
0x1bf: {  	v62 =	vsub.f32 v14, v35;
	[tilespmem:v26+s26+$0x0] =	vst.idx.add.f32.msk $0xffff, v27;
	v26 =	vmul.f32 $1.220703130e-04, v24;
	v63 =	vsub.f32 v23, v29  }
0x1c0: {  	v14 =	vld [tilespmem:s30+$0x10];
	v27 =	vshll.u32 v18, $0x3;
	v24 =	vmul.f32 $1.220703130e-04, v21;
	v23 =	vmul.f32 $1.220703130e-04, v22  }
0x1c1: {  	s1 =	simm.s32 $0x6;
	s3 =	simm.s32 $0x5270;
	v15 =	vld [tilespmem:s30+$0x0];
	v21 =	vmul.f32 $1.220703130e-04, v62;
	v29 =	vshll.u32 v17, $0x3;
	v22 =	vmul.f32 $1.220703130e-04, v63  }
.LBB2_10:
0x1c2: {  	v31 =	vld [tilespmem:s3+$0x20];
	v25 =	vand.u32 $0xFFFFFC00, v25;
	v27 =	vand.u32 $0xFFFFFC00, v27;
	v29 =	vand.u32 $0xFFFFFC00, v29  }
0x1c3: {  	s1 =	sadd.s32 $0x6, s1;
	v19 =	vand.u32 $0x7F, v19;
	v20 =	vand.u32 $0x7F, v20;
	v28 =	vand.u32 $0xFFFFFC00, v28;
	v32 =	vld [tilespmem:s3+$0xFFFFFFE0]  }
0x1c4: {  	v18 =	vand.u32 $0x7F, v18;
	v17 =	vand.u32 $0x7F, v17;
	v16 =	vand.u32 $0x7F, v16;
	p0 =	slt.u32 s1, $0x510;
	v33 =	vld [tilespmem:s3+$0xFFFFFFF0]  }
0x1c5: {  	v26 =	vadd.f32 $9.999389640e-01, v26;
	v19 =	vor.u32 v19, v30;
	v30 =	vadd.f32 $9.999389640e-01, v24;
	v34 =	vld [tilespmem:s3+$0x0]  }
0x1c6: {  	v23 =	vadd.f32 $9.999389640e-01, v23;
	v20 =	vor.u32 v20, v25;
	v18 =	vor.u32 v18, v27;
	v24 =	vld [tilespmem:s3+$0x10]  }
0x1c7: {  	v21 =	vadd.f32 $9.999389640e-01, v21;
	v17 =	vor.u32 v17, v29;
	v25 =	vld [tilespmem:s3+$0xFFFFFFD0];
	v27 =	vmul.f32 $1.024000000e+03, v31  }
0x1c8: {  	v22 =	vadd.f32 $9.999389640e-01, v22;
	v16 =	vor.u32 v16, v28;
	v29 =	vmul.f32 $1.024000000e+03, v32;
	[tilespmem:v9+s25+$0x0] =	vst.idx.add.f32.msk $0xffff, v4;
	v4 =	vmovc v23  }
0x1c9: {  	v19 =	vadd.s32 v1, v19;
	v23 =	vmul.f32 $1.024000000e+03, v33;
	v28 =	vtrunc.f32 v27;
	[tilespmem:v9+s26+$0x0] =	vst.idx.add.f32.msk $0xffff, v5;
	v5 =	vmovc v13  }
0x1ca: {  	v32 =	vadd.s32 v1, v20;
	v31 =	vmul.f32 $1.024000000e+03, v34;
	v13 =	vcvt.f32.s32 v28;
	[tilespmem:v12+s25+$0x0] =	vst.idx.add.f32.msk $0xffff, v3;
	v3 =	vmovc v21  }
0x1cb: {  	v9 =	vadd.s32 v1, v18;
	v20 =	vtrunc.f32 v29;
	v21 =	vmul.f32 $1.024000000e+03, v24;
	[tilespmem:v12+s26+$0x0] =	vst.idx.add.f32.msk $0xffff, v7;
	v7 =	vmovc v15  }
0x1cc: {  	v15 =	vmul.f32 $1.024000000e+03, v25;
	v12 =	vcvt.s32.f32 v13;
	v18 =	vshll.u32 v13, $0x3;
	[tilespmem:v11+s25+$0x0] =	vst.idx.add.f32.msk $0xffff, v2;
	v2 =	vmovc v22  }
0x1cd: {  	v22 =	vtrunc.f32 v23;
	v13 =	vand.u32 $0x7F, v13;
	v18 =	vand.u32 $0xFFFFFC00, v18;
	[tilespmem:v11+s26+$0x0] =	vst.idx.add.f32.msk $0xffff, v6;
	v6 =	vmovc v14  }
0x1ce: {  	v11 =	vtrunc.f32 v15;
	v12 =	vsub.f32 v27, v12;
	v13 =	vor.u32 v13, v18;
	[tilespmem:v19+s25+$0x0] =	vst.idx.add.f32.msk $0xffff, v26  }
0x1cf: {  	s30 =	sadd.s32 $0x60, s30;
	v14 =	vtrunc.f32 v31;
	v24 =	vtrunc.f32 v21;
	v26 =	vadd.s32 v1, v13;
	[tilespmem:v19+s26+$0x0] =	vst.idx.add.f32.msk $0xffff, v10  }
0x1d0: {  	v19 =	vcvt.f32.s32 v11;
	v27 =	vld [tilespmem:s30+$0x20];
	v13 =	vmul.f32 $1.220703130e-04, v12;
	v12 =	vadd.s32 v1, v17  }
0x1d1: {  	v20 =	vcvt.f32.s32 v20;
	v18 =	vcvt.f32.s32 v22;
	v11 =	vadd.s32 v1, v16;
	v10 =	vld [tilespmem:s30+$0xFFFFFFD0]  }
0x1d2: {  	v16 =	vcvt.f32.s32 v24;
	v17 =	vcvt.f32.s32 v14;
	v33 =	vld [tilespmem:s30+$0xFFFFFFE0];
	v14 =	vadd.f32 $9.999389640e-01, v13  }
0x1d3: {  	v24 =	vcvt.s32.f32 v20;
	v22 =	vcvt.s32.f32 v19;
	v28 =	vshll.u32 v19, $0x3;
	v13 =	vld [tilespmem:s30+$0xFFFFFFF0]  }
0x1d4: {  	v25 =	vshll.u32 v20, $0x3;
	v34 =	vcvt.s32.f32 v18;
	v35 =	vcvt.s32.f32 v17;
	[tilespmem:v26+s25+$0x0] =	vst.idx.add.f32.msk $0xffff, v14  }
.Ltmp4:
0x1d5: {  	v14 =	vsub.f32 v15, v22;
	v22 =	vsub.f32 v29, v24;
	v29 =	vcvt.s32.f32 v16;
	[tilespmem:v26+s26+$0x0] =	vst.idx.add.f32.msk $0xffff, v27;
	(pc) =	sbr.rel @p0 .LBB2_10-.Ltmp4, $4  }
0x1d6: {  	v23 =	vsub.f32 v23, v34;
	v31 =	vsub.f32 v31, v35;
	v27 =	vshll.u32 v18, $0x3;
	v15 =	vld [tilespmem:s30+$0x0]  }
0x1d7: {  	v26 =	vmul.f32 $1.220703130e-04, v14;
	v24 =	vmul.f32 $1.220703130e-04, v22;
	v22 =	vsub.f32 v21, v29;
	v14 =	vld [tilespmem:s30+$0x10]  }
0x1d8: {  	v23 =	vmul.f32 $1.220703130e-04, v23;
	v21 =	vmul.f32 $1.220703130e-04, v31;
	v29 =	vshll.u32 v17, $0x3;
	[tilespmem:v32+s25+$0x0] =	vst.idx.add.f32.msk $0xffff, v30  }
0x1d9: {  	s3 =	sadd.s32 $0x60, s3;
	v30 =	vand.u32 $0xFFFFFC00, v28;
	v22 =	vmul.f32 $1.220703130e-04, v22;
	v28 =	vshll.u32 v16, $0x3;
	[tilespmem:v32+s26+$0x0] =	vst.idx.add.f32.msk $0xffff, v8;
	v8 =	vmovc v33  }
0x1da: {  	_ =	sdelay $0x2  }
0x1db: {  	v19 =	vand.u32 $0x7F, v19  }
0x1dc: {  	[tilespmem:v9+s25+$0x0] =	vst.idx.add.f32.msk $0xffff, v4;
	v4 =	vand.u32 $0xFFFFFC00, v25;
	v20 =	vand.u32 $0x7F, v20;
	v19 =	vor.u32 v19, v30  }
0x1dd: {  	[tilespmem:v12+s25+$0x0] =	vst.idx.add.f32.msk $0xffff, v3;
	v4 =	vor.u32 v20, v4;
	v19 =	vadd.s32 v1, v19  }
0x1de: {  	[tilespmem:v11+s25+$0x0] =	vst.idx.add.f32.msk $0xffff, v2;
	v4 =	vadd.s32 v1, v4  }
0x1df: {  	v3 =	vand.u32 $0xFFFFFC00, v27;
	[tilespmem:v9+s26+$0x0] =	vst.idx.add.f32.msk $0xffff, v5;
	v5 =	vand.u32 $0x7F, v18  }
0x1e0: {  	v2 =	vand.u32 $0xFFFFFC00, v29;
	[tilespmem:v12+s26+$0x0] =	vst.idx.add.f32.msk $0xffff, v7;
	v7 =	vadd.f32 $9.999389640e-01, v26;
	v3 =	vor.u32 v5, v3  }
0x1e1: {  	[tilespmem:v11+s26+$0x0] =	vst.idx.add.f32.msk $0xffff, v6;
	v6 =	vadd.f32 $9.999389640e-01, v24;
	v5 =	vand.u32 $0x7F, v17;
	v3 =	vadd.s32 v1, v3  }
0x1e2: {  	v2 =	vor.u32 v5, v2;
	[tilespmem:v19+s25+$0x0] =	vst.idx.add.f32.msk $0xffff, v7  }
0x1e3: {  	v5 =	vand.u32 $0xFFFFFC00, v28;
	v2 =	vadd.s32 v1, v2;
	v7 =	vand.u32 $0x7F, v16;
	[tilespmem:v4+s25+$0x0] =	vst.idx.add.f32.msk $0xffff, v6  }
0x1e4: {  	v9 =	vadd.f32 $9.999389640e-01, v23;
	[tilespmem:v19+s26+$0x0] =	vst.idx.add.f32.msk $0xffff, v10;
	v5 =	vor.u32 v7, v5  }
0x1e5: {  	[tilespmem:v4+s26+$0x0] =	vst.idx.add.f32.msk $0xffff, v8;
	v5 =	vadd.s32 v1, v5  }
0x1e6: {  	v4 =	vadd.f32 $9.999389640e-01, v21;
	[tilespmem:v3+s25+$0x0] =	vst.idx.add.f32.msk $0xffff, v9  }
0x1e7: {  	[tilespmem:v3+s26+$0x0] =	vst.idx.add.f32.msk $0xffff, v13  }
0x1e8: {  	v3 =	vadd.f32 $9.999389640e-01, v22;
	[tilespmem:v2+s25+$0x0] =	vst.idx.add.f32.msk $0xffff, v4  }
0x1e9: {  	[tilespmem:v2+s26+$0x0] =	vst.idx.add.f32.msk $0xffff, v15  }
0x1ea: {  	[tilespmem:v5+s25+$0x0] =	vst.idx.add.f32.msk $0xffff, v3  }
0x1eb: {  	[tilespmem:v5+s26+$0x0] =	vst.idx.add.f32.msk $0xffff, v14  }
0x1ec: {  	[tilespmem:s21], [sflag:$0x2] =	stream.linear.gather [hbm4b:s13+s2], $0x5160, $0x38;
	[tilespmem:$0x1C700] =	vst v63  }
0x1ed: {  	_ = 	snop  }
0x1ee: {  	[tilespmem:s22], [sflag:$0x4] =	stream.linear.gather [hbm4b:s14+s2], $0x5160, $0x38;
	[tilespmem:$0x1C700] =	vst v63  }
0x1ef: {  	_ =	swait.ge [sflag:s23], $0x5160  }
0x1f0: {  	[sflag:s23] =	ssyncset.done $0x0  }
0x1f1: {  	[sflag:s23] =	ssyncadd.s32 $0xFFFFAEA0  }
0x1f2: {  	_ =	swait.ge [sflag:s24], $0x5160  }
0x1f3: {  	[sflag:s24] =	ssyncset.done $0x0  }
0x1f4: {  	s1 =	simm.s32 $0x30;
	[sflag:s24] =	ssyncadd.s32 $0xFFFFAEA0  }
0x1f5: {  	v2 =	vld [tilespmem:s1+$0x20]  }
0x1f6: {  	v3 =	vld [tilespmem:s1+$0xFFFFFFE0]  }
0x1f7: {  	v4 =	vld [tilespmem:s1+$0xFFFFFFF0]  }
0x1f8: {  	v5 =	vld [tilespmem:s1+$0x0]  }
0x1f9: {  	v6 =	vld [tilespmem:s1+$0xFFFFFFD0]  }
0x1fa: {  	v7 =	vld [tilespmem:s1+$0x10];
	_ =	sdelay $0x1  }
0x1fb: {  	v2 =	vmul.f32 $1.024000000e+03, v2  }
0x1fc: {  	v3 =	vmul.f32 $1.024000000e+03, v3;
	v4 =	vmul.f32 $1.024000000e+03, v4  }
0x1fd: {  	v5 =	vmul.f32 $1.024000000e+03, v5;
	v6 =	vmul.f32 $1.024000000e+03, v6  }
0x1fe: {  	v7 =	vmul.f32 $1.024000000e+03, v7;
	v8 =	vtrunc.f32 v2  }
0x1ff: {  	v9 =	vtrunc.f32 v3;
	v12 =	vtrunc.f32 v4  }
0x200: {  	s3 =	simm.s32 $0x90;
	v13 =	vtrunc.f32 v6;
	v8 =	vcvt.f32.s32 v8  }
0x201: {  	v21 =	vld [tilespmem:s3+$0x20];
	v14 =	vtrunc.f32 v7;
	v9 =	vcvt.f32.s32 v9  }
0x202: {  	v22 =	vld [tilespmem:s3+$0xFFFFFFE0];
	v12 =	vcvt.f32.s32 v12;
	v10 =	vcvt.s32.f32 v8  }
0x203: {  	v23 =	vld [tilespmem:s3+$0xFFFFFFF0];
	v11 =	vshll.u32 v8, $0x3;
	v8 =	vand.u32 $0x7F, v8;
	v16 =	vcvt.s32.f32 v9  }
0x204: {  	v17 =	vshll.u32 v9, $0x3;
	v18 =	vcvt.s32.f32 v12;
	v9 =	vand.u32 $0x7F, v9  }
0x205: {  	v17 =	vand.u32 $0xFFFFFC00, v17;
	v2 =	vsub.f32 v2, v10;
	v10 =	vand.u32 $0xFFFFFC00, v11  }
0x206: {  	v11 =	vtrunc.f32 v5;
	v3 =	vsub.f32 v3, v16;
	v4 =	vsub.f32 v4, v18  }
0x207: {  	v16 =	vshll.u32 v12, $0x3;
	v9 =	vor.u32 v9, v17;
	v17 =	vmul.f32 $1.024000000e+03, v21  }
0x208: {  	v12 =	vand.u32 $0x7F, v12;
	v21 =	vmul.f32 $1.024000000e+03, v22;
	v22 =	vmul.f32 $1.024000000e+03, v23  }
0x209: {  	v8 =	vor.u32 v8, v10;
	v10 =	vcvt.f32.s32 v13;
	v11 =	vcvt.f32.s32 v11  }
0x20a: {  	v13 =	vcvt.f32.s32 v14;
	v16 =	vand.u32 $0xFFFFFC00, v16;
	v32 =	vadd.s32 v1, v9  }
0x20b: {  	v2 =	vmul.f32 $1.220703130e-04, v2;
	v8 =	vadd.s32 v1, v8;
	v3 =	vmul.f32 $1.220703130e-04, v3  }
0x20c: {  	v4 =	vmul.f32 $1.220703130e-04, v4;
	v12 =	vor.u32 v12, v16;
	v15 =	vshll.u32 v10, $0x3  }
0x20d: {  	v19 =	vcvt.s32.f32 v11;
	v18 =	vshll.u32 v11, $0x3;
	v20 =	vshll.u32 v13, $0x3  }
0x20e: {  	v11 =	vand.u32 $0x7F, v11;
	v14 =	vadd.f32 $9.999389640e-01, v2;
	v2 =	vcvt.s32.f32 v10  }
0x20f: {  	v24 =	vld [tilespmem:s3+$0x0];
	v9 =	vadd.s32 v1, v12;
	v15 =	vand.u32 $0xFFFFFC00, v15;
	v10 =	vand.u32 $0x7F, v10  }
0x210: {  	v10 =	vor.u32 v10, v15;
	v15 =	vld [tilespmem:s3+$0x10];
	v2 =	vsub.f32 v6, v2;
	v6 =	vcvt.s32.f32 v13  }
0x211: {  	s7 =	simm.s32 $0xA330;
	v16 =	vld [tilespmem:s3+$0xFFFFFFD0];
	v18 =	vand.u32 $0xFFFFFC00, v18;
	v20 =	vand.u32 $0xFFFFFC00, v20;
	v28 =	vadd.f32 $9.999389640e-01, v3  }
0x212: {  	v31 =	vld [tilespmem:s7+$0xFFFFFFE0];
	v5 =	vsub.f32 v5, v19;
	v10 =	vadd.s32 v1, v10;
	v6 =	vsub.f32 v7, v6  }
0x213: {  	v4 =	vadd.f32 $9.999389640e-01, v4;
	v11 =	vor.u32 v11, v18;
	v2 =	vmul.f32 $1.220703130e-04, v2;
	v7 =	vld [tilespmem:s7+$0x20]  }
0x214: {  	v19 =	vld [tilespmem:s7+$0xFFFFFFD0];
	v13 =	vand.u32 $0x7F, v13;
	v5 =	vmul.f32 $1.220703130e-04, v5;
	v6 =	vmul.f32 $1.220703130e-04, v6  }
0x215: {  	s30 =	simm.s32 $0xA390;
	[tilespmem:v8+s25+$0x0] =	vst.idx.add.f32.msk $0xffff, v14;
	v14 =	vmul.f32 $1.024000000e+03, v24;
	v25 =	vadd.f32 $9.999389640e-01, v2;
	v23 =	vmul.f32 $1.024000000e+03, v15  }
0x216: {  	v27 =	vld [tilespmem:s30+$0x20];
	v15 =	vmul.f32 $1.024000000e+03, v16;
	v2 =	vadd.f32 $9.999389640e-01, v6;
	v6 =	vtrunc.f32 v17  }
0x217: {  	v13 =	vor.u32 v13, v20;
	v24 =	vtrunc.f32 v22;
	[tilespmem:v10+s25+$0x0] =	vst.idx.add.f32.msk $0xffff, v25;
	v18 =	vcvt.f32.s32 v6  }
0x218: {  	v3 =	vadd.f32 $9.999389640e-01, v5;
	v20 =	vtrunc.f32 v15;
	[tilespmem:v8+s26+$0x0] =	vst.idx.add.f32.msk $0xffff, v7;
	v8 =	vtrunc.f32 v21  }
0x219: {  	[tilespmem:v10+s26+$0x0] =	vst.idx.add.f32.msk $0xffff, v19;
	v19 =	vcvt.f32.s32 v20;
	v12 =	vcvt.s32.f32 v18;
	v16 =	vshll.u32 v18, $0x3  }
0x21a: {  	[tilespmem:v32+s25+$0x0] =	vst.idx.add.f32.msk $0xffff, v28;
	v20 =	vcvt.f32.s32 v8;
	v18 =	vand.u32 $0x7F, v18;
	v16 =	vand.u32 $0xFFFFFC00, v16  }
0x21b: {  	[tilespmem:v32+s26+$0x0] =	vst.idx.add.f32.msk $0xffff, v31;
	v25 =	vtrunc.f32 v23;
	v12 =	vsub.f32 v17, v12;
	v16 =	vor.u32 v18, v16  }
0x21c: {  	v5 =	vld [tilespmem:s7+$0xFFFFFFF0];
	v33 =	vcvt.s32.f32 v20;
	v17 =	vtrunc.f32 v14;
	v26 =	vadd.s32 v1, v16  }
0x21d: {  	v7 =	vld [tilespmem:s7+$0x0];
	v30 =	vshll.u32 v19, $0x3;
	v18 =	vcvt.f32.s32 v24;
	v29 =	vmul.f32 $1.220703130e-04, v12  }
0x21e: {  	v6 =	vld [tilespmem:s7+$0x10];
	v30 =	vand.u32 $0xFFFFFC00, v30;
	v17 =	vcvt.f32.s32 v17;
	v16 =	vcvt.f32.s32 v25  }
0x21f: {  	v10 =	vld [tilespmem:s30+$0xFFFFFFD0];
	v25 =	vshll.u32 v20, $0x3;
	v24 =	vadd.f32 $9.999389640e-01, v29;
	v29 =	vcvt.s32.f32 v19  }
0x220: {  	v8 =	vld [tilespmem:s30+$0xFFFFFFE0];
	v21 =	vsub.f32 v21, v33;
	v12 =	vadd.s32 v1, v11;
	v34 =	vcvt.s32.f32 v18  }
0x221: {  	v35 =	vcvt.s32.f32 v17;
	[tilespmem:v26+s25+$0x0] =	vst.idx.add.f32.msk $0xffff, v24;
	v24 =	vsub.f32 v15, v29;
	v29 =	vcvt.s32.f32 v16  }
0x222: {  	v11 =	vadd.s32 v1, v13;
	v13 =	vld [tilespmem:s30+$0xFFFFFFF0];
	v28 =	vshll.u32 v16, $0x3;
	v22 =	vsub.f32 v22, v34  }
0x223: {  	v62 =	vsub.f32 v14, v35;
	[tilespmem:v26+s26+$0x0] =	vst.idx.add.f32.msk $0xffff, v27;
	v26 =	vmul.f32 $1.220703130e-04, v24;
	v63 =	vsub.f32 v23, v29  }
0x224: {  	v14 =	vld [tilespmem:s30+$0x10];
	v27 =	vshll.u32 v18, $0x3;
	v24 =	vmul.f32 $1.220703130e-04, v21;
	v23 =	vmul.f32 $1.220703130e-04, v22  }
0x225: {  	s1 =	simm.s32 $0x6;
	s3 =	simm.s32 $0xF0;
	v15 =	vld [tilespmem:s30+$0x0];
	v21 =	vmul.f32 $1.220703130e-04, v62;
	v29 =	vshll.u32 v17, $0x3;
	v22 =	vmul.f32 $1.220703130e-04, v63  }
.LBB2_12:
0x226: {  	v31 =	vld [tilespmem:s3+$0x20];
	v25 =	vand.u32 $0xFFFFFC00, v25;
	v27 =	vand.u32 $0xFFFFFC00, v27;
	v29 =	vand.u32 $0xFFFFFC00, v29  }
0x227: {  	s1 =	sadd.s32 $0x6, s1;
	v19 =	vand.u32 $0x7F, v19;
	v20 =	vand.u32 $0x7F, v20;
	v28 =	vand.u32 $0xFFFFFC00, v28;
	v32 =	vld [tilespmem:s3+$0xFFFFFFE0]  }
0x228: {  	v18 =	vand.u32 $0x7F, v18;
	v17 =	vand.u32 $0x7F, v17;
	v16 =	vand.u32 $0x7F, v16;
	p0 =	slt.u32 s1, $0x510;
	v33 =	vld [tilespmem:s3+$0xFFFFFFF0]  }
0x229: {  	v26 =	vadd.f32 $9.999389640e-01, v26;
	v19 =	vor.u32 v19, v30;
	v30 =	vadd.f32 $9.999389640e-01, v24;
	v34 =	vld [tilespmem:s3+$0x0]  }
0x22a: {  	v23 =	vadd.f32 $9.999389640e-01, v23;
	v20 =	vor.u32 v20, v25;
	v18 =	vor.u32 v18, v27;
	v24 =	vld [tilespmem:s3+$0x10]  }
0x22b: {  	v21 =	vadd.f32 $9.999389640e-01, v21;
	v17 =	vor.u32 v17, v29;
	v25 =	vld [tilespmem:s3+$0xFFFFFFD0];
	v27 =	vmul.f32 $1.024000000e+03, v31  }
0x22c: {  	v22 =	vadd.f32 $9.999389640e-01, v22;
	v16 =	vor.u32 v16, v28;
	v29 =	vmul.f32 $1.024000000e+03, v32;
	[tilespmem:v9+s25+$0x0] =	vst.idx.add.f32.msk $0xffff, v4;
	v4 =	vmovc v23  }
0x22d: {  	v19 =	vadd.s32 v1, v19;
	v23 =	vmul.f32 $1.024000000e+03, v33;
	v28 =	vtrunc.f32 v27;
	[tilespmem:v9+s26+$0x0] =	vst.idx.add.f32.msk $0xffff, v5;
	v5 =	vmovc v13  }
0x22e: {  	v32 =	vadd.s32 v1, v20;
	v31 =	vmul.f32 $1.024000000e+03, v34;
	v13 =	vcvt.f32.s32 v28;
	[tilespmem:v12+s25+$0x0] =	vst.idx.add.f32.msk $0xffff, v3;
	v3 =	vmovc v21  }
0x22f: {  	v9 =	vadd.s32 v1, v18;
	v20 =	vtrunc.f32 v29;
	v21 =	vmul.f32 $1.024000000e+03, v24;
	[tilespmem:v12+s26+$0x0] =	vst.idx.add.f32.msk $0xffff, v7;
	v7 =	vmovc v15  }
0x230: {  	v15 =	vmul.f32 $1.024000000e+03, v25;
	v12 =	vcvt.s32.f32 v13;
	v18 =	vshll.u32 v13, $0x3;
	[tilespmem:v11+s25+$0x0] =	vst.idx.add.f32.msk $0xffff, v2;
	v2 =	vmovc v22  }
0x231: {  	v22 =	vtrunc.f32 v23;
	v13 =	vand.u32 $0x7F, v13;
	v18 =	vand.u32 $0xFFFFFC00, v18;
	[tilespmem:v11+s26+$0x0] =	vst.idx.add.f32.msk $0xffff, v6;
	v6 =	vmovc v14  }
0x232: {  	v11 =	vtrunc.f32 v15;
	v12 =	vsub.f32 v27, v12;
	v13 =	vor.u32 v13, v18;
	[tilespmem:v19+s25+$0x0] =	vst.idx.add.f32.msk $0xffff, v26  }
0x233: {  	s30 =	sadd.s32 $0x60, s30;
	v14 =	vtrunc.f32 v31;
	v24 =	vtrunc.f32 v21;
	v26 =	vadd.s32 v1, v13;
	[tilespmem:v19+s26+$0x0] =	vst.idx.add.f32.msk $0xffff, v10  }
0x234: {  	v19 =	vcvt.f32.s32 v11;
	v27 =	vld [tilespmem:s30+$0x20];
	v13 =	vmul.f32 $1.220703130e-04, v12;
	v12 =	vadd.s32 v1, v17  }
0x235: {  	v20 =	vcvt.f32.s32 v20;
	v18 =	vcvt.f32.s32 v22;
	v11 =	vadd.s32 v1, v16;
	v10 =	vld [tilespmem:s30+$0xFFFFFFD0]  }
0x236: {  	v16 =	vcvt.f32.s32 v24;
	v17 =	vcvt.f32.s32 v14;
	v33 =	vld [tilespmem:s30+$0xFFFFFFE0];
	v14 =	vadd.f32 $9.999389640e-01, v13  }
0x237: {  	v24 =	vcvt.s32.f32 v20;
	v22 =	vcvt.s32.f32 v19;
	v28 =	vshll.u32 v19, $0x3;
	v13 =	vld [tilespmem:s30+$0xFFFFFFF0]  }
0x238: {  	v25 =	vshll.u32 v20, $0x3;
	v34 =	vcvt.s32.f32 v18;
	v35 =	vcvt.s32.f32 v17;
	[tilespmem:v26+s25+$0x0] =	vst.idx.add.f32.msk $0xffff, v14  }
.Ltmp5:
0x239: {  	v14 =	vsub.f32 v15, v22;
	v22 =	vsub.f32 v29, v24;
	v29 =	vcvt.s32.f32 v16;
	[tilespmem:v26+s26+$0x0] =	vst.idx.add.f32.msk $0xffff, v27;
	(pc) =	sbr.rel @p0 .LBB2_12-.Ltmp5, $4  }
0x23a: {  	v23 =	vsub.f32 v23, v34;
	v31 =	vsub.f32 v31, v35;
	v27 =	vshll.u32 v18, $0x3;
	v15 =	vld [tilespmem:s30+$0x0]  }
0x23b: {  	v26 =	vmul.f32 $1.220703130e-04, v14;
	v24 =	vmul.f32 $1.220703130e-04, v22;
	v22 =	vsub.f32 v21, v29;
	v14 =	vld [tilespmem:s30+$0x10]  }
0x23c: {  	v23 =	vmul.f32 $1.220703130e-04, v23;
	v21 =	vmul.f32 $1.220703130e-04, v31;
	v29 =	vshll.u32 v17, $0x3;
	[tilespmem:v32+s25+$0x0] =	vst.idx.add.f32.msk $0xffff, v30  }
0x23d: {  	s3 =	sadd.s32 $0x60, s3;
	v30 =	vand.u32 $0xFFFFFC00, v28;
	v22 =	vmul.f32 $1.220703130e-04, v22;
	v28 =	vshll.u32 v16, $0x3;
	[tilespmem:v32+s26+$0x0] =	vst.idx.add.f32.msk $0xffff, v8;
	v8 =	vmovc v33  }
0x23e: {  	_ =	sdelay $0x2  }
0x23f: {  	v19 =	vand.u32 $0x7F, v19  }
0x240: {  	[tilespmem:v9+s25+$0x0] =	vst.idx.add.f32.msk $0xffff, v4;
	v4 =	vand.u32 $0xFFFFFC00, v25;
	v20 =	vand.u32 $0x7F, v20;
	v19 =	vor.u32 v19, v30  }
0x241: {  	[tilespmem:v12+s25+$0x0] =	vst.idx.add.f32.msk $0xffff, v3;
	v4 =	vor.u32 v20, v4;
	v19 =	vadd.s32 v1, v19  }
0x242: {  	[tilespmem:v11+s25+$0x0] =	vst.idx.add.f32.msk $0xffff, v2;
	v4 =	vadd.s32 v1, v4  }
0x243: {  	v3 =	vand.u32 $0xFFFFFC00, v27;
	[tilespmem:v9+s26+$0x0] =	vst.idx.add.f32.msk $0xffff, v5;
	v5 =	vand.u32 $0x7F, v18  }
0x244: {  	v2 =	vand.u32 $0xFFFFFC00, v29;
	[tilespmem:v12+s26+$0x0] =	vst.idx.add.f32.msk $0xffff, v7;
	v7 =	vadd.f32 $9.999389640e-01, v26;
	v3 =	vor.u32 v5, v3  }
0x245: {  	[tilespmem:v11+s26+$0x0] =	vst.idx.add.f32.msk $0xffff, v6;
	v6 =	vadd.f32 $9.999389640e-01, v24;
	v5 =	vand.u32 $0x7F, v17;
	v3 =	vadd.s32 v1, v3  }
0x246: {  	v2 =	vor.u32 v5, v2;
	[tilespmem:v19+s25+$0x0] =	vst.idx.add.f32.msk $0xffff, v7  }
0x247: {  	v5 =	vand.u32 $0xFFFFFC00, v28;
	v2 =	vadd.s32 v1, v2;
	v7 =	vand.u32 $0x7F, v16;
	[tilespmem:v4+s25+$0x0] =	vst.idx.add.f32.msk $0xffff, v6  }
0x248: {  	v9 =	vadd.f32 $9.999389640e-01, v23;
	[tilespmem:v19+s26+$0x0] =	vst.idx.add.f32.msk $0xffff, v10;
	v5 =	vor.u32 v7, v5  }
0x249: {  	[tilespmem:v4+s26+$0x0] =	vst.idx.add.f32.msk $0xffff, v8;
	v5 =	vadd.s32 v1, v5  }
0x24a: {  	v4 =	vadd.f32 $9.999389640e-01, v21;
	[tilespmem:v3+s25+$0x0] =	vst.idx.add.f32.msk $0xffff, v9  }
0x24b: {  	[tilespmem:v3+s26+$0x0] =	vst.idx.add.f32.msk $0xffff, v13  }
0x24c: {  	v3 =	vadd.f32 $9.999389640e-01, v22;
	[tilespmem:v2+s25+$0x0] =	vst.idx.add.f32.msk $0xffff, v4  }
0x24d: {  	[tilespmem:v2+s26+$0x0] =	vst.idx.add.f32.msk $0xffff, v15  }
0x24e: {  	[tilespmem:v5+s25+$0x0] =	vst.idx.add.f32.msk $0xffff, v3  }
0x24f: {  	[tilespmem:v5+s26+$0x0] =	vst.idx.add.f32.msk $0xffff, v14  }
0x250: {  	_ =	swait.ge [sflag:s28], $0x5160  }
0x251: {  	[sflag:s28] =	ssyncset.done $0x0  }
0x252: {  	[sflag:s28] =	ssyncadd.s32 $0xFFFFAEA0  }
0x253: {  	_ =	swait.ge [sflag:s29], $0x5160  }
0x254: {  	[sflag:s29] =	ssyncset.done $0x0  }
0x255: {  	s1 =	simm.s32 $0x51B0;
	[sflag:s29] =	ssyncadd.s32 $0xFFFFAEA0  }
0x256: {  	v2 =	vld [tilespmem:s1+$0x20]  }
0x257: {  	v3 =	vld [tilespmem:s1+$0xFFFFFFE0]  }
0x258: {  	v4 =	vld [tilespmem:s1+$0xFFFFFFF0]  }
0x259: {  	v5 =	vld [tilespmem:s1+$0x0]  }
0x25a: {  	v6 =	vld [tilespmem:s1+$0xFFFFFFD0]  }
0x25b: {  	v7 =	vld [tilespmem:s1+$0x10];
	_ =	sdelay $0x1  }
0x25c: {  	v2 =	vmul.f32 $1.024000000e+03, v2  }
0x25d: {  	v3 =	vmul.f32 $1.024000000e+03, v3;
	v4 =	vmul.f32 $1.024000000e+03, v4  }
0x25e: {  	v5 =	vmul.f32 $1.024000000e+03, v5;
	v6 =	vmul.f32 $1.024000000e+03, v6  }
0x25f: {  	v7 =	vmul.f32 $1.024000000e+03, v7;
	v8 =	vtrunc.f32 v2  }
0x260: {  	v9 =	vtrunc.f32 v3;
	v12 =	vtrunc.f32 v4  }
0x261: {  	s3 =	simm.s32 $0x5210;
	v13 =	vtrunc.f32 v6;
	v8 =	vcvt.f32.s32 v8  }
0x262: {  	v21 =	vld [tilespmem:s3+$0x20];
	v14 =	vtrunc.f32 v7;
	v9 =	vcvt.f32.s32 v9  }
0x263: {  	v22 =	vld [tilespmem:s3+$0xFFFFFFE0];
	v12 =	vcvt.f32.s32 v12;
	v10 =	vcvt.s32.f32 v8  }
0x264: {  	v23 =	vld [tilespmem:s3+$0xFFFFFFF0];
	v11 =	vshll.u32 v8, $0x3;
	v8 =	vand.u32 $0x7F, v8;
	v16 =	vcvt.s32.f32 v9  }
0x265: {  	v17 =	vshll.u32 v9, $0x3;
	v18 =	vcvt.s32.f32 v12;
	v9 =	vand.u32 $0x7F, v9  }
0x266: {  	v17 =	vand.u32 $0xFFFFFC00, v17;
	v2 =	vsub.f32 v2, v10;
	v10 =	vand.u32 $0xFFFFFC00, v11  }
0x267: {  	v11 =	vtrunc.f32 v5;
	v3 =	vsub.f32 v3, v16;
	v4 =	vsub.f32 v4, v18  }
0x268: {  	v16 =	vshll.u32 v12, $0x3;
	v9 =	vor.u32 v9, v17;
	v17 =	vmul.f32 $1.024000000e+03, v21  }
0x269: {  	v12 =	vand.u32 $0x7F, v12;
	v21 =	vmul.f32 $1.024000000e+03, v22;
	v22 =	vmul.f32 $1.024000000e+03, v23  }
0x26a: {  	v8 =	vor.u32 v8, v10;
	v10 =	vcvt.f32.s32 v13;
	v11 =	vcvt.f32.s32 v11  }
0x26b: {  	v13 =	vcvt.f32.s32 v14;
	v16 =	vand.u32 $0xFFFFFC00, v16;
	v32 =	vadd.s32 v1, v9  }
0x26c: {  	v2 =	vmul.f32 $1.220703130e-04, v2;
	v8 =	vadd.s32 v1, v8;
	v3 =	vmul.f32 $1.220703130e-04, v3  }
0x26d: {  	v4 =	vmul.f32 $1.220703130e-04, v4;
	v12 =	vor.u32 v12, v16;
	v15 =	vshll.u32 v10, $0x3  }
0x26e: {  	v19 =	vcvt.s32.f32 v11;
	v18 =	vshll.u32 v11, $0x3;
	v20 =	vshll.u32 v13, $0x3  }
0x26f: {  	v11 =	vand.u32 $0x7F, v11;
	v14 =	vadd.f32 $9.999389640e-01, v2;
	v2 =	vcvt.s32.f32 v10  }
0x270: {  	v24 =	vld [tilespmem:s3+$0x0];
	v9 =	vadd.s32 v1, v12;
	v15 =	vand.u32 $0xFFFFFC00, v15;
	v10 =	vand.u32 $0x7F, v10  }
0x271: {  	v10 =	vor.u32 v10, v15;
	v15 =	vld [tilespmem:s3+$0x10];
	v2 =	vsub.f32 v6, v2;
	v6 =	vcvt.s32.f32 v13  }
0x272: {  	s7 =	simm.s32 $0xF4B0;
	v16 =	vld [tilespmem:s3+$0xFFFFFFD0];
	v18 =	vand.u32 $0xFFFFFC00, v18;
	v20 =	vand.u32 $0xFFFFFC00, v20;
	v28 =	vadd.f32 $9.999389640e-01, v3  }
0x273: {  	v31 =	vld [tilespmem:s7+$0xFFFFFFE0];
	v5 =	vsub.f32 v5, v19;
	v10 =	vadd.s32 v1, v10;
	v6 =	vsub.f32 v7, v6  }
0x274: {  	v4 =	vadd.f32 $9.999389640e-01, v4;
	v11 =	vor.u32 v11, v18;
	v2 =	vmul.f32 $1.220703130e-04, v2;
	v7 =	vld [tilespmem:s7+$0x20]  }
0x275: {  	v19 =	vld [tilespmem:s7+$0xFFFFFFD0];
	v13 =	vand.u32 $0x7F, v13;
	v5 =	vmul.f32 $1.220703130e-04, v5;
	v6 =	vmul.f32 $1.220703130e-04, v6  }
0x276: {  	s30 =	simm.s32 $0xF510;
	[tilespmem:v8+s25+$0x0] =	vst.idx.add.f32.msk $0xffff, v14;
	v14 =	vmul.f32 $1.024000000e+03, v24;
	v25 =	vadd.f32 $9.999389640e-01, v2;
	v23 =	vmul.f32 $1.024000000e+03, v15  }
0x277: {  	v27 =	vld [tilespmem:s30+$0x20];
	v15 =	vmul.f32 $1.024000000e+03, v16;
	v2 =	vadd.f32 $9.999389640e-01, v6;
	v6 =	vtrunc.f32 v17  }
0x278: {  	v13 =	vor.u32 v13, v20;
	v24 =	vtrunc.f32 v22;
	[tilespmem:v10+s25+$0x0] =	vst.idx.add.f32.msk $0xffff, v25;
	v18 =	vcvt.f32.s32 v6  }
0x279: {  	v3 =	vadd.f32 $9.999389640e-01, v5;
	v20 =	vtrunc.f32 v15;
	[tilespmem:v8+s26+$0x0] =	vst.idx.add.f32.msk $0xffff, v7;
	v8 =	vtrunc.f32 v21  }
0x27a: {  	[tilespmem:v10+s26+$0x0] =	vst.idx.add.f32.msk $0xffff, v19;
	v19 =	vcvt.f32.s32 v20;
	v12 =	vcvt.s32.f32 v18;
	v16 =	vshll.u32 v18, $0x3  }
0x27b: {  	[tilespmem:v32+s25+$0x0] =	vst.idx.add.f32.msk $0xffff, v28;
	v20 =	vcvt.f32.s32 v8;
	v18 =	vand.u32 $0x7F, v18;
	v16 =	vand.u32 $0xFFFFFC00, v16  }
0x27c: {  	[tilespmem:v32+s26+$0x0] =	vst.idx.add.f32.msk $0xffff, v31;
	v25 =	vtrunc.f32 v23;
	v12 =	vsub.f32 v17, v12;
	v16 =	vor.u32 v18, v16  }
0x27d: {  	v5 =	vld [tilespmem:s7+$0xFFFFFFF0];
	v33 =	vcvt.s32.f32 v20;
	v17 =	vtrunc.f32 v14;
	v26 =	vadd.s32 v1, v16  }
0x27e: {  	v7 =	vld [tilespmem:s7+$0x0];
	v30 =	vshll.u32 v19, $0x3;
	v18 =	vcvt.f32.s32 v24;
	v29 =	vmul.f32 $1.220703130e-04, v12  }
0x27f: {  	v6 =	vld [tilespmem:s7+$0x10];
	v30 =	vand.u32 $0xFFFFFC00, v30;
	v17 =	vcvt.f32.s32 v17;
	v16 =	vcvt.f32.s32 v25  }
0x280: {  	v10 =	vld [tilespmem:s30+$0xFFFFFFD0];
	v25 =	vshll.u32 v20, $0x3;
	v24 =	vadd.f32 $9.999389640e-01, v29;
	v29 =	vcvt.s32.f32 v19  }
0x281: {  	v8 =	vld [tilespmem:s30+$0xFFFFFFE0];
	v21 =	vsub.f32 v21, v33;
	v12 =	vadd.s32 v1, v11;
	v34 =	vcvt.s32.f32 v18  }
0x282: {  	v35 =	vcvt.s32.f32 v17;
	[tilespmem:v26+s25+$0x0] =	vst.idx.add.f32.msk $0xffff, v24;
	v24 =	vsub.f32 v15, v29;
	v29 =	vcvt.s32.f32 v16  }
0x283: {  	v11 =	vadd.s32 v1, v13;
	v13 =	vld [tilespmem:s30+$0xFFFFFFF0];
	v28 =	vshll.u32 v16, $0x3;
	v22 =	vsub.f32 v22, v34  }
0x284: {  	v62 =	vsub.f32 v14, v35;
	[tilespmem:v26+s26+$0x0] =	vst.idx.add.f32.msk $0xffff, v27;
	v26 =	vmul.f32 $1.220703130e-04, v24;
	v63 =	vsub.f32 v23, v29  }
0x285: {  	v14 =	vld [tilespmem:s30+$0x10];
	v27 =	vshll.u32 v18, $0x3;
	v24 =	vmul.f32 $1.220703130e-04, v21;
	v23 =	vmul.f32 $1.220703130e-04, v22  }
0x286: {  	s1 =	simm.s32 $0x6;
	s3 =	simm.s32 $0x5270;
	v15 =	vld [tilespmem:s30+$0x0];
	v21 =	vmul.f32 $1.220703130e-04, v62;
	v29 =	vshll.u32 v17, $0x3;
	v22 =	vmul.f32 $1.220703130e-04, v63  }
.LBB2_14:
0x287: {  	v31 =	vld [tilespmem:s3+$0x20];
	v25 =	vand.u32 $0xFFFFFC00, v25;
	v27 =	vand.u32 $0xFFFFFC00, v27;
	v29 =	vand.u32 $0xFFFFFC00, v29  }
0x288: {  	s1 =	sadd.s32 $0x6, s1;
	v19 =	vand.u32 $0x7F, v19;
	v20 =	vand.u32 $0x7F, v20;
	v28 =	vand.u32 $0xFFFFFC00, v28;
	v32 =	vld [tilespmem:s3+$0xFFFFFFE0]  }
0x289: {  	v18 =	vand.u32 $0x7F, v18;
	v17 =	vand.u32 $0x7F, v17;
	v16 =	vand.u32 $0x7F, v16;
	p0 =	slt.u32 s1, $0x510;
	v33 =	vld [tilespmem:s3+$0xFFFFFFF0]  }
0x28a: {  	v26 =	vadd.f32 $9.999389640e-01, v26;
	v19 =	vor.u32 v19, v30;
	v30 =	vadd.f32 $9.999389640e-01, v24;
	v34 =	vld [tilespmem:s3+$0x0]  }
0x28b: {  	v23 =	vadd.f32 $9.999389640e-01, v23;
	v20 =	vor.u32 v20, v25;
	v18 =	vor.u32 v18, v27;
	v24 =	vld [tilespmem:s3+$0x10]  }
0x28c: {  	v21 =	vadd.f32 $9.999389640e-01, v21;
	v17 =	vor.u32 v17, v29;
	v25 =	vld [tilespmem:s3+$0xFFFFFFD0];
	v27 =	vmul.f32 $1.024000000e+03, v31  }
0x28d: {  	v22 =	vadd.f32 $9.999389640e-01, v22;
	v16 =	vor.u32 v16, v28;
	v29 =	vmul.f32 $1.024000000e+03, v32;
	[tilespmem:v9+s25+$0x0] =	vst.idx.add.f32.msk $0xffff, v4;
	v4 =	vmovc v23  }
0x28e: {  	v19 =	vadd.s32 v1, v19;
	v23 =	vmul.f32 $1.024000000e+03, v33;
	v28 =	vtrunc.f32 v27;
	[tilespmem:v9+s26+$0x0] =	vst.idx.add.f32.msk $0xffff, v5;
	v5 =	vmovc v13  }
0x28f: {  	v32 =	vadd.s32 v1, v20;
	v31 =	vmul.f32 $1.024000000e+03, v34;
	v13 =	vcvt.f32.s32 v28;
	[tilespmem:v12+s25+$0x0] =	vst.idx.add.f32.msk $0xffff, v3;
	v3 =	vmovc v21  }
0x290: {  	v9 =	vadd.s32 v1, v18;
	v20 =	vtrunc.f32 v29;
	v21 =	vmul.f32 $1.024000000e+03, v24;
	[tilespmem:v12+s26+$0x0] =	vst.idx.add.f32.msk $0xffff, v7;
	v7 =	vmovc v15  }
0x291: {  	v15 =	vmul.f32 $1.024000000e+03, v25;
	v12 =	vcvt.s32.f32 v13;
	v18 =	vshll.u32 v13, $0x3;
	[tilespmem:v11+s25+$0x0] =	vst.idx.add.f32.msk $0xffff, v2;
	v2 =	vmovc v22  }
0x292: {  	v22 =	vtrunc.f32 v23;
	v13 =	vand.u32 $0x7F, v13;
	v18 =	vand.u32 $0xFFFFFC00, v18;
	[tilespmem:v11+s26+$0x0] =	vst.idx.add.f32.msk $0xffff, v6;
	v6 =	vmovc v14  }
0x293: {  	v11 =	vtrunc.f32 v15;
	v12 =	vsub.f32 v27, v12;
	v13 =	vor.u32 v13, v18;
	[tilespmem:v19+s25+$0x0] =	vst.idx.add.f32.msk $0xffff, v26  }
0x294: {  	s30 =	sadd.s32 $0x60, s30;
	v14 =	vtrunc.f32 v31;
	v24 =	vtrunc.f32 v21;
	v26 =	vadd.s32 v1, v13;
	[tilespmem:v19+s26+$0x0] =	vst.idx.add.f32.msk $0xffff, v10  }
0x295: {  	v19 =	vcvt.f32.s32 v11;
	v27 =	vld [tilespmem:s30+$0x20];
	v13 =	vmul.f32 $1.220703130e-04, v12;
	v12 =	vadd.s32 v1, v17  }
0x296: {  	v20 =	vcvt.f32.s32 v20;
	v18 =	vcvt.f32.s32 v22;
	v11 =	vadd.s32 v1, v16;
	v10 =	vld [tilespmem:s30+$0xFFFFFFD0]  }
0x297: {  	v16 =	vcvt.f32.s32 v24;
	v17 =	vcvt.f32.s32 v14;
	v33 =	vld [tilespmem:s30+$0xFFFFFFE0];
	v14 =	vadd.f32 $9.999389640e-01, v13  }
0x298: {  	v24 =	vcvt.s32.f32 v20;
	v22 =	vcvt.s32.f32 v19;
	v28 =	vshll.u32 v19, $0x3;
	v13 =	vld [tilespmem:s30+$0xFFFFFFF0]  }
0x299: {  	v25 =	vshll.u32 v20, $0x3;
	v34 =	vcvt.s32.f32 v18;
	v35 =	vcvt.s32.f32 v17;
	[tilespmem:v26+s25+$0x0] =	vst.idx.add.f32.msk $0xffff, v14  }
.Ltmp6:
0x29a: {  	v14 =	vsub.f32 v15, v22;
	v22 =	vsub.f32 v29, v24;
	v29 =	vcvt.s32.f32 v16;
	[tilespmem:v26+s26+$0x0] =	vst.idx.add.f32.msk $0xffff, v27;
	(pc) =	sbr.rel @p0 .LBB2_14-.Ltmp6, $4  }
0x29b: {  	v23 =	vsub.f32 v23, v34;
	v31 =	vsub.f32 v31, v35;
	v27 =	vshll.u32 v18, $0x3;
	v15 =	vld [tilespmem:s30+$0x0]  }
0x29c: {  	v26 =	vmul.f32 $1.220703130e-04, v14;
	v24 =	vmul.f32 $1.220703130e-04, v22;
	v22 =	vsub.f32 v21, v29;
	v14 =	vld [tilespmem:s30+$0x10]  }
0x29d: {  	v23 =	vmul.f32 $1.220703130e-04, v23;
	v21 =	vmul.f32 $1.220703130e-04, v31;
	v29 =	vshll.u32 v17, $0x3;
	[tilespmem:v32+s25+$0x0] =	vst.idx.add.f32.msk $0xffff, v30  }
0x29e: {  	s3 =	sadd.s32 $0x60, s3;
	v30 =	vand.u32 $0xFFFFFC00, v28;
	v22 =	vmul.f32 $1.220703130e-04, v22;
	v28 =	vshll.u32 v16, $0x3;
	[tilespmem:v32+s26+$0x0] =	vst.idx.add.f32.msk $0xffff, v8;
	v8 =	vmovc v33  }
0x29f: {  	_ =	sdelay $0x3  }
0x2a0: {  	v19 =	vand.u32 $0x7F, v19;
	[tilespmem:v9+s25+$0x0] =	vst.idx.add.f32.msk $0xffff, v4;
	v52 =	vand.u32 $0xFFFFFC00, v25;
	v20 =	vand.u32 $0x7F, v20  }
0x2a1: {  	[tilespmem:v12+s25+$0x0] =	vst.idx.add.f32.msk $0xffff, v3;
	v3 =	vand.u32 $0xFFFFFC00, v27;
	v53 =	vand.u32 $0x7F, v18;
	v19 =	vor.u32 v19, v30  }
0x2a2: {  	[tilespmem:v11+s25+$0x0] =	vst.idx.add.f32.msk $0xffff, v2;
	v2 =	vand.u32 $0xFFFFFC00, v29;
	v4 =	vor.u32 v20, v52;
	v19 =	vadd.s32 v1, v19  }
0x2a3: {  	v55 =	vand.u32 $0x7F, v17;
	v3 =	vor.u32 v53, v3;
	v4 =	vadd.s32 v1, v4  }
0x2a4: {  	[tilespmem:v9+s26+$0x0] =	vst.idx.add.f32.msk $0xffff, v5;
	v2 =	vor.u32 v55, v2;
	v3 =	vadd.s32 v1, v3  }
0x2a5: {  	v54 =	vadd.f32 $9.999389640e-01, v26;
	[tilespmem:v12+s26+$0x0] =	vst.idx.add.f32.msk $0xffff, v7;
	v2 =	vadd.s32 v1, v2  }
0x2a6: {  	v56 =	vadd.f32 $9.999389640e-01, v24;
	[tilespmem:v11+s26+$0x0] =	vst.idx.add.f32.msk $0xffff, v6  }
0x2a7: {  	v59 =	vadd.f32 $9.999389640e-01, v23;
	[tilespmem:v19+s25+$0x0] =	vst.idx.add.f32.msk $0xffff, v54  }
0x2a8: {  	v57 =	vand.u32 $0xFFFFFC00, v28;
	v58 =	vand.u32 $0x7F, v16;
	v60 =	vadd.f32 $9.999389640e-01, v21;
	[tilespmem:v4+s25+$0x0] =	vst.idx.add.f32.msk $0xffff, v56  }
0x2a9: {  	v5 =	vor.u32 v58, v57;
	[tilespmem:v3+s25+$0x0] =	vst.idx.add.f32.msk $0xffff, v59  }
0x2aa: {  	v5 =	vadd.s32 v1, v5;
	[tilespmem:v2+s25+$0x0] =	vst.idx.add.f32.msk $0xffff, v60  }
0x2ab: {  	[tilespmem:v19+s26+$0x0] =	vst.idx.add.f32.msk $0xffff, v10  }
0x2ac: {  	[tilespmem:v4+s26+$0x0] =	vst.idx.add.f32.msk $0xffff, v8  }
0x2ad: {  	[tilespmem:v3+s26+$0x0] =	vst.idx.add.f32.msk $0xffff, v13;
	v3 =	vadd.f32 $9.999389640e-01, v22  }
0x2ae: {  	[tilespmem:v2+s26+$0x0] =	vst.idx.add.f32.msk $0xffff, v15  }
0x2af: {  	[tilespmem:v5+s25+$0x0] =	vst.idx.add.f32.msk $0xffff, v3  }
0x2b0: {  	s1 =	simm.s32 $0x1C600;
	[tilespmem:v5+s26+$0x0] =	vst.idx.add.f32.msk $0xffff, v14  }
0x2b1: {  	[tilespmem:s1], [sflag:$0x5] =	stream.linear.gather [hbm4b:s15+s2], $0x10, $0x38;
	[tilespmem:$0x1C700] =	vst v63  }
0x2b2: {  	_ =	swait.ge [sflag:s31], $0x10  }
0x2b3: {  	[sflag:s31] =	ssyncset.done $0x0  }
0x2b4: {  	s30 =	simm.s32 $0x1C680;
	[sflag:s31] =	ssyncadd.s32 $0xFFFFFFF0  }
0x2b5: {  	[tilespmem:s30], [sflag:$0x5] =	stream.linear.gather [hbm4b:s16+s2], $0x10, $0x38;
	[tilespmem:$0x1C700] =	vst v63  }
0x2b6: {  	_ =	swait.ge [sflag:s31], $0x10  }
0x2b7: {  	[sflag:s31] =	ssyncset.done $0x0  }
0x2b8: {  	[sflag:s31] =	ssyncadd.s32 $0xFFFFFFF0  }
0x2b9: {  	v2 =	vld [tilespmem:$0x1C600];
	_ =	sdelay $0x4  }
0x2ba: {  	v2 =	vmul.f32 $1.024000000e+03, v2;
	_ =	sdelay $0x1  }
0x2bb: {  	v3 =	vtrunc.f32 v2  }
0x2bc: {  	v3 =	vcvt.f32.s32 v3;
	_ =	sdelay $0x1  }
0x2bd: {  	vm1 =	vgt.s32 v3, $0x0  }
0x2be: {  	v3 =	vnsel vm1, $0x0, v3  }
0x2bf: {  	v3 =	vmin.u32 v3, $0x3FF  }
0x2c0: {  	v61 =	vcvt.s32.f32 v3;
	v62 =	vshll.u32 v3, $0x3  }
0x2c1: {  	v3 =	vand.u32 $0x7F, v3;
	v5 =	vand.u32 $0x1C00, v62  }
0x2c2: {  	v2 =	vsub.f32 v2, v61;
	v3 =	vor.u32 v5, v3  }
0x2c3: {  	v3 =	vor.u32 v1, v3  }
0x2c4: {  	v63 =	vld [tilespmem:$0x1C680];
	v2 =	vmul.f32 $1.220703130e-04, v2;
	_ =	sdelay $0x1  }
0x2c5: {  	v2 =	vadd.f32 $9.999389640e-01, v2;
	_ =	sdelay $0x1  }
0x2c6: {  	[tilespmem:v3+s25+$0x0] =	vst.idx.add.f32.msk vm0, v2  }
0x2c7: {  	[tilespmem:v3+s26+$0x0] =	vst.idx.add.f32.msk vm0, v63  }
0x2c8: {  	[hbm4b:s17+s2] =	stream.linear.scatter [tilespmem:s25], [sflag:$0x5], $0x4000, $0x38;
	[tilespmem:$0x1C700] =	vst v63  }
0x2c9: {  	s0 =	sadd.s32 $0x1, s0;
	_ =	swait.ge [sflag:s31], $0x4000  }
0x2ca: {  	p0 =	sne.s32 s0, s19;
	[sflag:s31] =	ssyncset.done $0x0  }
.Ltmp7:
0x2cb: {  	[sflag:s31] =	ssyncadd.s32 $0xFFFFC000;
	(pc) =	sbr.rel @p0 .LBB2_1-.Ltmp7, $4  }
0x2cc: {  	[hbm4b:s18+s2] =	stream.linear.scatter [tilespmem:s26], [sflag:$0x5], $0x4000, $0x38;
	[tilespmem:$0x1C700] =	vst v63  }
0x2cd: {  	_ =	swait.ge [sflag:s31], $0x4000  }
0x2ce: {  	[sflag:s31] =	ssyncset.done $0x0  }
0x2cf: {  	[sflag:s31] =	ssyncadd.s32 $0xFFFFC000  }
0x2d0: {  	_ =	sfence.sel $0x180000  }
0x2d1: {  	[bflag:$0x0] =	sbarrier.arrive $0xFFFF  }
0x2d2: {  	_ =	strace $0x90000047  }
0x2d3: {  	s0 =	stileid.u32;
	[bflag:$0x2] =	sbarrier.arrive $0xFFFF  }
0x2d4: {  	p0 =	sne.s32 s0, $0x0;
	s0 =	rddreg [dreg:$0x3]  }
0x2d5: {  	s0 =	sadd.s32 @!p0 $0x100000, s0  }
0x2d6: {  	[sflag:s0] =	ssyncadd.tile.s32 @!p0 $0x1;
	_ =	shalt  }
.Lfunc_end2:
_tile_overlayer_lowered:
.L_overlay_start_2:
0x2d7: {  	(tag) =	ssettag $0x2  }
0x2d8: {  	s0 =	rddreg [dreg:$0x0];
	s2 =	stileid.u32  }
0x2d9: {  	s1 =	rddreg [dreg:$0x1];
	p0 =	sne.s32 s2, $0x0  }
0x2da: {  	s3 =	rddreg [dreg:$0x2];
	[bflag:$0x3] =	sbarrier.arrive $0xFFFF;
	s2 =	simm.s32 @!p0 $0x1C05  }
0x2db: {  	[timem:s3], [sflag:s2] =	dma.local @!p0 [hbm:s0], s1  }
0x2dc: {  	s0 =	simm.s32 @!p0 $0x5  }
0x2dd: {  	_ =	swait.ge @!p0 [sflag:s0], s1  }
0x2de: {  	s1 =	ssub.s32 @!p0 $0x0, s1;
	[sflag:s0] =	ssyncset.done @!p0 $0x0  }
0x2df: {  	[sflag:s0] =	ssyncadd.s32 @!p0 s1  }
0x2e0: {  	[bflag:$0x3] =	sbarrier.arrive $0xFFFF  }
0x2e1: {  	_ =	shalt  }

</sc_bundles>
